<compile_context>
chip_gen: v7x
topology: tpu7x:2x2x1
jax: 0.10.2.dev20260603
libtpu: 0.0.44.dev20260713+nightly
codegen_flags: <defaults>
</compile_context>

<pallas_src>
import functools

import jax
import jax.numpy as jnp
from jax import lax
from jax.experimental import pallas as pl
from jax.experimental.pallas import tpu as pltpu
from jax.experimental.pallas import tpu_sc as plsc

_B = 4
_N = 5000
_MAXK = 300
_KPAD = 320
_L = 16
_IOU_THR = 0.6
_SCORE_THR = 0.2
_MIN_SIZE = 8.0
_SENT = 2.0e9
_PK_W = 40064
_ORD_W = 5120
_OUT_W = 1280


_CS = 50
_NBLK = _N // _CS


def _nms_body(pk_hbm, ord_hbm, out_hbm,
              pk_v, ord_v, kx1, ky1, kx2, ky2, ka, outf, state):
    cid = lax.axis_index("c")
    sid = lax.axis_index("s")
    wid = cid * 16 + sid

    @pl.when(wid < _B)
    def _():
        b = wid
        pltpu.sync_copy(pk_hbm.at[b], pk_v)
        pltpu.sync_copy(ord_hbm.at[b], ord_v)

        sent = jnp.full((_L,), _SENT, jnp.float32)
        zero = jnp.zeros((_L,), jnp.float32)
        for t in range(_KPAD // _L):
            sl = pl.ds(t * _L, _L)
            kx1[sl] = sent
            ky1[sl] = zero
            kx2[sl] = sent
            ky2[sl] = zero
            ka[sl] = zero

        lane = lax.iota(jnp.int32, 16)
        lanef = lane.astype(jnp.float32)
        ind = [jnp.maximum(1.0 - jnp.abs(lanef - k), 0.0) for k in range(4)]
        indc0 = 1.0 - ind[0]

        def write_box(slot, x1, y1, x2, y2):
            outf[pl.ds(slot * 4, _L)] = (x1 * ind[0] + y1 * ind[1]
                                         + x2 * ind[2] + y2 * ind[3])

        state[0] = 0
        state[1] = 1

        def candidate(j):
            @pl.when(state[1] == 1)
            def _():
                idx = ord_v[pl.ds(j, _L)][0]
                bv = pk_v[pl.ds(idx * 8, _L)]
                x1 = bv[0]
                y1 = bv[1]
                x2 = bv[2]
                y2 = bv[3]
                s = bv[4]
                w = x2 - x1
                h = y2 - y1
                ok = (s > _SCORE_THR) & (w >= _MIN_SIZE) & (h >= _MIN_SIZE)
                aj = w * h
                kc = state[0]
                nch = (kc + (_L - 1)) // _L

                def chunk_body(t, acc):
                    sl = pl.ds(t * _L, _L)
                    xi1 = jnp.maximum(kx1[sl], x1)
                    yi1 = jnp.maximum(ky1[sl], y1)
                    xi2 = jnp.minimum(kx2[sl], x2)
                    yi2 = jnp.minimum(ky2[sl], y2)
                    iw = jnp.maximum(xi2 - xi1, 0.0)
                    ih = jnp.maximum(yi2 - yi1, 0.0)
                    inter = iw * ih
                    return jnp.maximum(acc,
                                       inter - _IOU_THR * (aj + ka[sl] - inter))

                acc = lax.fori_loop(0, nch, chunk_body,
                                    jnp.full((_L,), -1.0, jnp.float32))
                for sh in (8, 4, 2, 1):
                    perm = (lane + sh) % _L
                    acc = jnp.maximum(
                        acc, acc.at[perm].get(mode="promise_in_bounds"))

                keepf = ok & (acc[0] < 0.0)
                sx1 = jnp.where(keepf, x1, _SENT)
                sy1 = jnp.where(keepf, y1, 0.0)
                sx2 = jnp.where(keepf, x2, _SENT)
                sy2 = jnp.where(keepf, y2, 0.0)
                sa = jnp.where(keepf, aj, 0.0)
                sl = pl.ds(kc, _L)
                kx1[sl] = sx1 * ind[0] + _SENT * indc0
                ky1[sl] = sy1 * ind[0]
                kx2[sl] = sx2 * ind[0] + _SENT * indc0
                ky2[sl] = sy2 * ind[0]
                ka[sl] = sa * ind[0]
                write_box(kc, x1, y1, x2, y2)
                kc2 = kc + jnp.where(keepf, 1, 0)
                state[0] = kc2
                state[1] = jnp.where(ok & (kc2 < _MAXK), 1, 0)

        def block(b0, carry):
            @pl.when(state[1] == 1)
            def _():
                def inner(jj, c2):
                    candidate(b0 * _CS + jj)
                    return c2

                lax.fori_loop(0, _CS, inner, 0)
            return carry

        lax.fori_loop(0, _NBLK, block, 0)

        kc = state[0]

        pv = pk_v[pl.ds(ord_v[pl.ds(_N - 1, _L)][0] * 8, _L)]

        def pad_body(r, carry):
            write_box(r, pv[0], pv[1], pv[2], pv[3])
            return carry

        lax.fori_loop(kc, _MAXK, pad_body, 0)

        pltpu.sync_copy(outf, out_hbm.at[b])


_nms_call = functools.partial(
    pl.kernel,
    out_type=jax.ShapeDtypeStruct((_B, _OUT_W), jnp.float32),
    mesh=plsc.VectorSubcoreMesh(core_axis_name="c", subcore_axis_name="s"),
    scratch_types=[
        pltpu.VMEM((_PK_W,), jnp.float32),
        pltpu.VMEM((_ORD_W,), jnp.int32),
        pltpu.VMEM((_KPAD,), jnp.float32),
        pltpu.VMEM((_KPAD,), jnp.float32),
        pltpu.VMEM((_KPAD,), jnp.float32),
        pltpu.VMEM((_KPAD,), jnp.float32),
        pltpu.VMEM((_KPAD,), jnp.float32),
        pltpu.VMEM((_OUT_W,), jnp.float32),
        pltpu.SMEM((8,), jnp.int32),
    ],
)(_nms_body)


@jax.jit
def kernel(proposals, cls_scores):
    scores = cls_scores[:, :, 1]
    w = proposals[:, :, 2] - proposals[:, :, 0]
    h = proposals[:, :, 3] - proposals[:, :, 1]
    valid = (scores > _SCORE_THR) & (w >= _MIN_SIZE) & (h >= _MIN_SIZE)
    s = jnp.where(valid, scores, -jnp.inf)
    m = lax.bitcast_convert_type(s, jnp.int32)
    key = jnp.where(m < 0, m ^ jnp.int32(0x7FFFFFFF), m)
    order = jnp.argsort(-key, axis=-1).astype(jnp.int32)
    packed = jnp.concatenate(
        [proposals, scores[:, :, None],
         jnp.zeros((_B, _N, 3), jnp.float32)], axis=-1).reshape(_B, _N * 8)
    packed = jnp.concatenate(
        [packed, jnp.zeros((_B, _PK_W - _N * 8), jnp.float32)], axis=-1)
    order = jnp.concatenate(
        [order, jnp.zeros((_B, _ORD_W - _N), jnp.int32)], axis=-1)
    out = _nms_call(packed, order)
    return out[:, :_MAXK * 4].reshape(_B, _MAXK, 4)

# --- scband reference (transcript-rebuilt; emitter-appended) ---
"""Pipeline reference for scband-proposal-filter-3307124818720 (READ-ONLY COPY).

The authoritative reference and input builder live on the scoring server;
editing this copy changes nothing except your own understanding.
"""

import jax, jax.numpy as jnp
import numpy as np

IOU_THRESHOLD = 0.6
MIN_SIZE = 8
SCORE_THRESHOLD = 0.2
MAX_PROPOSALS = 300


def _nms_np(prop, scores, iou_thr, max_keep):
    # Greedy NMS, mathematically equivalent to the sequential torch loop.
    order = np.argsort(-scores)
    n = prop.shape[0]
    suppressed = np.zeros(n, dtype=bool)
    areas = (prop[:, 2] - prop[:, 0]) * (prop[:, 3] - prop[:, 1])
    keep = []
    for oi in order:
        if suppressed[oi]:
            continue
        keep.append(int(oi))
        if len(keep) >= max_keep:
            # only the first max_keep kept indices affect the output (keep_idxs[:max_proposals])
            break
        xi1 = np.maximum(prop[oi, 0], prop[:, 0])
        yi1 = np.maximum(prop[oi, 1], prop[:, 1])
        xi2 = np.minimum(prop[oi, 2], prop[:, 2])
        yi2 = np.minimum(prop[oi, 3], prop[:, 3])
        inter = np.clip(xi2 - xi1, 0, None) * np.clip(yi2 - yi1, 0, None)
        union = areas[oi] + areas - inter
        iou = inter / union
        suppressed |= (iou >= iou_thr)  # torch keeps strictly iou < thr
    return np.array(keep, dtype=np.int64)


def _filter_indices(prop_np, cls_np):
    # Returns, per batch element, the kept indices into the ORIGINAL proposal list.
    idx_list = []
    B = prop_np.shape[0]
    for i in range(B):
        prop = prop_np[i]
        scores = cls_np[i][:, 1]
        hs = np.where(scores > SCORE_THRESHOLD)[0]
        prop_f = prop[hs]
        scores_f = scores[hs]
        widths = prop_f[:, 2] - prop_f[:, 0]
        heights = prop_f[:, 3] - prop_f[:, 1]
        sz = np.where((widths >= MIN_SIZE) & (heights >= MIN_SIZE))[0]
        prop_f = prop_f[sz]
        scores_f = scores_f[sz]
        keep = _nms_np(prop_f, scores_f, IOU_THRESHOLD, MAX_PROPOSALS)
        keep = keep[:MAX_PROPOSALS]
        idx_list.append(hs[sz][keep])
    return idx_list


def _nms_first_keep_idx(prop, scores):
    N = prop.shape[0]
    widths = prop[:, 2] - prop[:, 0]
    heights = prop[:, 3] - prop[:, 1]
    valid = (scores > SCORE_THRESHOLD) & (widths >= MIN_SIZE) & (heights >= MIN_SIZE)
    s = jnp.where(valid, scores, -jnp.inf)
    order = jnp.argsort(-s)
    sboxes = prop[order]
    areas = (sboxes[:, 2] - sboxes[:, 0]) * (sboxes[:, 3] - sboxes[:, 1])
    suppressed0 = ~valid[order]
    keep0 = jnp.zeros((N,), dtype=bool)

    def body(j, state):
        suppressed, keep = state
        is_kept = ~suppressed[j]
        keep = keep.at[j].set(is_kept)
        xi1 = jnp.maximum(sboxes[j, 0], sboxes[:, 0])
        yi1 = jnp.maximum(sboxes[j, 1], sboxes[:, 1])
        xi2 = jnp.minimum(sboxes[j, 2], sboxes[:, 2])
        yi2 = jnp.minimum(sboxes[j, 3], sboxes[:, 3])
        inter = jnp.clip(xi2 - xi1, 0, None) * jnp.clip(yi2 - yi1, 0, None)
        union = areas[j] + areas - inter
        iou = inter / union
        suppressed = suppressed | (is_kept & (iou >= IOU_THRESHOLD))
        return suppressed, keep

    _, keep = jax.lax.fori_loop(0, N, body, (suppressed0, keep0))
    kept_ranks = jnp.where(keep, jnp.arange(N), N)
    first = jnp.sort(kept_ranks)[:MAX_PROPOSALS]
    return order[first]


def setup_inputs(seed: int = 0) -> dict:
    key = jax.random.key(seed)
    k1, k2, k3, k4, k5 = jax.random.split(key, 5)
    B, N = 4, 5000
    # Realistic proposal boxes: top-left corner in [0, 900), width/height in [16, 80)
    x1 = jax.random.uniform(k1, (B, N), dtype=jnp.float32) * 900.0
    y1 = jax.random.uniform(k2, (B, N), dtype=jnp.float32) * 900.0
    w = 16.0 + jax.random.uniform(k3, (B, N), dtype=jnp.float32) * 64.0
    h = 16.0 + jax.random.uniform(k4, (B, N), dtype=jnp.float32) * 64.0
    proposals = jnp.stack([x1, y1, x1 + w, y1 + h], axis=-1)
    cls_scores = jax.random.uniform(k5, (B, N, 2), dtype=jnp.float32)
    return {"proposals": proposals, "cls_scores": cls_scores}


def reference(proposals, cls_scores):
    scores = cls_scores[:, :, 1]
    idxs = jax.vmap(_nms_first_keep_idx)(proposals, scores)
    outs = jax.vmap(lambda p, idx: jnp.take(p, idx, axis=0))(proposals, idxs)
    return outs

if __name__ == "__main__":
    import jax
    _d = setup_inputs()
    print(jax.jit(kernel)(*tuple(_d.values())))

</pallas_src>

<mosaic_0001>
#map = affine_map<(d0, d1) -> (0, 0)>
module attributes {stable_mosaic.version = 14 : i64} {
  func.func @_nms_body(%arg0: i32, %arg1: i32, %arg2: memref<4x40064xf32, #tpu.memory_space<hbm>>, %arg3: memref<4x5120xi32, #tpu.memory_space<hbm>>, %arg4: memref<4x1280xf32, #tpu.memory_space<hbm>>, %arg5: memref<40064xf32, #tpu.memory_space<vmem>>, %arg6: memref<5120xi32, #tpu.memory_space<vmem>>, %arg7: memref<320xf32, #tpu.memory_space<vmem>>, %arg8: memref<320xf32, #tpu.memory_space<vmem>>, %arg9: memref<320xf32, #tpu.memory_space<vmem>>, %arg10: memref<320xf32, #tpu.memory_space<vmem>>, %arg11: memref<320xf32, #tpu.memory_space<vmem>>, %arg12: memref<1280xf32, #tpu.memory_space<vmem>>, %arg13: memref<8xi32, #tpu.memory_space<smem>>) attributes {dimension_semantics = [#tpu.dimension_semantics<core_parallel>, #tpu.dimension_semantics<subcore_parallel>], iteration_bounds = array<i64: 2, 16>, scalar_prefetch = 0 : i64, scratch_operands = 9 : i64, tpu.core_type = #tpu.core_type<sc_vector_subcore>, window_params = [{transform_indices = #map}, {transform_indices = #map}, {transform_indices = #map}]} {
    %mul3A = arith.constant 16 : i32
    %mul3A_0 = arith.muli %arg0, %mul3A : i32
    %add3A = arith.addi %mul3A_0, %arg1 : i32
    %lt3A = arith.constant 4 : i32
    %lt3A_1 = arith.cmpi slt, %add3A, %lt3A : i32
    %convert_element_type3A = arith.extui %lt3A_1 : i1 to i32
    %cond3A = arith.constant 0 : i32
    %cond3A_2 = arith.cmpi ne, %convert_element_type3A, %cond3A : i32
    scf.if %cond3A_2 {
      "tpu.region"() ({
        %run_scoped3A = tpu.sem_alloc : memref<!tpu.dma_semaphore, #tpu.memory_space<semaphore_mem>>
        %dma_start3A = arith.constant 0 : i32
        %dma_start3A_478 = tpu.memref_slice %arg2[%add3A, %dma_start3A] : memref<4x40064xf32, #tpu.memory_space<hbm>> -> memref<1x40064xf32, #tpu.memory_space<hbm>>
        %dma_start3A_479 = tpu.memref_squeeze %dma_start3A_478 : memref<1x40064xf32, #tpu.memory_space<hbm>> -> memref<40064xf32, #tpu.memory_space<hbm>>
        %dma_start3A_480 = arith.constant 0 : i32
        %dma_start3A_481 = tpu.memref_slice %arg2[%add3A, %dma_start3A_480] : memref<4x40064xf32, #tpu.memory_space<hbm>> -> memref<1x40064xf32, #tpu.memory_space<hbm>>
        %dma_start3A_482 = tpu.memref_squeeze %dma_start3A_481 : memref<1x40064xf32, #tpu.memory_space<hbm>> -> memref<40064xf32, #tpu.memory_space<hbm>>
        tpu.enqueue_dma source(%dma_start3A_482 : memref<40064xf32, #tpu.memory_space<hbm>>) target(%arg5 : memref<40064xf32, #tpu.memory_space<vmem>>) target_semaphore(%run_scoped3A : memref<!tpu.dma_semaphore, #tpu.memory_space<semaphore_mem>>)
        %dma_wait3A = arith.constant 0 : i32
        %dma_wait3A_483 = tpu.memref_slice %arg2[%add3A, %dma_wait3A] : memref<4x40064xf32, #tpu.memory_space<hbm>> -> memref<1x40064xf32, #tpu.memory_space<hbm>>
        %dma_wait3A_484 = tpu.memref_squeeze %dma_wait3A_483 : memref<1x40064xf32, #tpu.memory_space<hbm>> -> memref<40064xf32, #tpu.memory_space<hbm>>
        %dma_wait3A_485 = arith.constant 0 : i32
        %dma_wait3A_486 = tpu.memref_slice %arg2[%add3A, %dma_wait3A_485] : memref<4x40064xf32, #tpu.memory_space<hbm>> -> memref<1x40064xf32, #tpu.memory_space<hbm>>
        %dma_wait3A_487 = tpu.memref_squeeze %dma_wait3A_486 : memref<1x40064xf32, #tpu.memory_space<hbm>> -> memref<40064xf32, #tpu.memory_space<hbm>>
        tpu.wait_dma2 semaphore(%run_scoped3A : memref<!tpu.dma_semaphore, #tpu.memory_space<semaphore_mem>>) src(%dma_wait3A_487 : memref<40064xf32, #tpu.memory_space<hbm>>) dst(%arg5 : memref<40064xf32, #tpu.memory_space<vmem>>)
        tpu.yield
      }) : () -> ()
      "tpu.region"() ({
        %run_scoped3A = tpu.sem_alloc : memref<!tpu.dma_semaphore, #tpu.memory_space<semaphore_mem>>
        %dma_start3A = arith.constant 0 : i32
        %dma_start3A_478 = tpu.memref_slice %arg3[%add3A, %dma_start3A] : memref<4x5120xi32, #tpu.memory_space<hbm>> -> memref<1x5120xi32, #tpu.memory_space<hbm>>
        %dma_start3A_479 = tpu.memref_squeeze %dma_start3A_478 : memref<1x5120xi32, #tpu.memory_space<hbm>> -> memref<5120xi32, #tpu.memory_space<hbm>>
        %dma_start3A_480 = arith.constant 0 : i32
        %dma_start3A_481 = tpu.memref_slice %arg3[%add3A, %dma_start3A_480] : memref<4x5120xi32, #tpu.memory_space<hbm>> -> memref<1x5120xi32, #tpu.memory_space<hbm>>
        %dma_start3A_482 = tpu.memref_squeeze %dma_start3A_481 : memref<1x5120xi32, #tpu.memory_space<hbm>> -> memref<5120xi32, #tpu.memory_space<hbm>>
        tpu.enqueue_dma source(%dma_start3A_482 : memref<5120xi32, #tpu.memory_space<hbm>>) target(%arg6 : memref<5120xi32, #tpu.memory_space<vmem>>) target_semaphore(%run_scoped3A : memref<!tpu.dma_semaphore, #tpu.memory_space<semaphore_mem>>)
        %dma_wait3A = arith.constant 0 : i32
        %dma_wait3A_483 = tpu.memref_slice %arg3[%add3A, %dma_wait3A] : memref<4x5120xi32, #tpu.memory_space<hbm>> -> memref<1x5120xi32, #tpu.memory_space<hbm>>
        %dma_wait3A_484 = tpu.memref_squeeze %dma_wait3A_483 : memref<1x5120xi32, #tpu.memory_space<hbm>> -> memref<5120xi32, #tpu.memory_space<hbm>>
        %dma_wait3A_485 = arith.constant 0 : i32
        %dma_wait3A_486 = tpu.memref_slice %arg3[%add3A, %dma_wait3A_485] : memref<4x5120xi32, #tpu.memory_space<hbm>> -> memref<1x5120xi32, #tpu.memory_space<hbm>>
        %dma_wait3A_487 = tpu.memref_squeeze %dma_wait3A_486 : memref<1x5120xi32, #tpu.memory_space<hbm>> -> memref<5120xi32, #tpu.memory_space<hbm>>
        tpu.wait_dma2 semaphore(%run_scoped3A : memref<!tpu.dma_semaphore, #tpu.memory_space<semaphore_mem>>) src(%dma_wait3A_487 : memref<5120xi32, #tpu.memory_space<hbm>>) dst(%arg6 : memref<5120xi32, #tpu.memory_space<vmem>>)
        tpu.yield
      }) : () -> ()
      %broadcast_in_dim3A = arith.constant 2.000000e+09 : f32
      %broadcast_in_dim3A_3 = vector.broadcast %broadcast_in_dim3A : f32 to vector<16xf32>
      %broadcast_in_dim3A_4 = arith.constant 0.000000e+00 : f32
      %broadcast_in_dim3A_5 = vector.broadcast %broadcast_in_dim3A_4 : f32 to vector<16xf32>
      %swap3A = arith.constant 0 : index
      %swap3A_6 = tpu.vector_load %arg7[%swap3A] {strides = array<i32>} : memref<320xf32, #tpu.memory_space<vmem>>, vector<16xf32>,
      %swap3A_7 = vector.shape_cast %swap3A_6 : vector<16xf32> to vector<16xf32>
      %swap3A_8 = vector.shape_cast %broadcast_in_dim3A_3 : vector<16xf32> to vector<16xf32>
      tpu.vector_store %arg7[%swap3A], %swap3A_8 {strides = array<i32>} : memref<320xf32, #tpu.memory_space<vmem>>, vector<16xf32>,
      %swap3A_9 = arith.constant 0 : index
      %swap3A_10 = tpu.vector_load %arg8[%swap3A_9] {strides = array<i32>} : memref<320xf32, #tpu.memory_space<vmem>>, vector<16xf32>,
      %swap3A_11 = vector.shape_cast %swap3A_10 : vector<16xf32> to vector<16xf32>
      %swap3A_12 = vector.shape_cast %broadcast_in_dim3A_5 : vector<16xf32> to vector<16xf32>
      tpu.vector_store %arg8[%swap3A_9], %swap3A_12 {strides = array<i32>} : memref<320xf32, #tpu.memory_space<vmem>>, vector<16xf32>,
      %swap3A_13 = arith.constant 0 : index
      %swap3A_14 = tpu.vector_load %arg9[%swap3A_13] {strides = array<i32>} : memref<320xf32, #tpu.memory_space<vmem>>, vector<16xf32>,
      %swap3A_15 = vector.shape_cast %swap3A_14 : vector<16xf32> to vector<16xf32>
      %swap3A_16 = vector.shape_cast %broadcast_in_dim3A_3 : vector<16xf32> to vector<16xf32>
      tpu.vector_store %arg9[%swap3A_13], %swap3A_16 {strides = array<i32>} : memref<320xf32, #tpu.memory_space<vmem>>, vector<16xf32>,
      %swap3A_17 = arith.constant 0 : index
      %swap3A_18 = tpu.vector_load %arg10[%swap3A_17] {strides = array<i32>} : memref<320xf32, #tpu.memory_space<vmem>>, vector<16xf32>,
      %swap3A_19 = vector.shape_cast %swap3A_18 : vector<16xf32> to vector<16xf32>
      %swap3A_20 = vector.shape_cast %broadcast_in_dim3A_5 : vector<16xf32> to vector<16xf32>
      tpu.vector_store %arg10[%swap3A_17], %swap3A_20 {strides = array<i32>} : memref<320xf32, #tpu.memory_space<vmem>>, vector<16xf32>,
      %swap3A_21 = arith.constant 0 : index
      %swap3A_22 = tpu.vector_load %arg11[%swap3A_21] {strides = array<i32>} : memref<320xf32, #tpu.memory_space<vmem>>, vector<16xf32>,
      %swap3A_23 = vector.shape_cast %swap3A_22 : vector<16xf32> to vector<16xf32>
      %swap3A_24 = vector.shape_cast %broadcast_in_dim3A_5 : vector<16xf32> to vector<16xf32>
      tpu.vector_store %arg11[%swap3A_21], %swap3A_24 {strides = array<i32>} : memref<320xf32, #tpu.memory_space<vmem>>, vector<16xf32>,
      %swap3A_25 = arith.constant 16 : index
      %swap3A_26 = tpu.vector_load %arg7[%swap3A_25] {strides = array<i32>} : memref<320xf32, #tpu.memory_space<vmem>>, vector<16xf32>,
      %swap3A_27 = vector.shape_cast %swap3A_26 : vector<16xf32> to vector<16xf32>
      %swap3A_28 = vector.shape_cast %broadcast_in_dim3A_3 : vector<16xf32> to vector<16xf32>
      tpu.vector_store %arg7[%swap3A_25], %swap3A_28 {strides = array<i32>} : memref<320xf32, #tpu.memory_space<vmem>>, vector<16xf32>,
      %swap3A_29 = arith.constant 16 : index
      %swap3A_30 = tpu.vector_load %arg8[%swap3A_29] {strides = array<i32>} : memref<320xf32, #tpu.memory_space<vmem>>, vector<16xf32>,
      %swap3A_31 = vector.shape_cast %swap3A_30 : vector<16xf32> to vector<16xf32>
      %swap3A_32 = vector.shape_cast %broadcast_in_dim3A_5 : vector<16xf32> to vector<16xf32>
      tpu.vector_store %arg8[%swap3A_29], %swap3A_32 {strides = array<i32>} : memref<320xf32, #tpu.memory_space<vmem>>, vector<16xf32>,
      %swap3A_33 = arith.constant 16 : index
      %swap3A_34 = tpu.vector_load %arg9[%swap3A_33] {strides = array<i32>} : memref<320xf32, #tpu.memory_space<vmem>>, vector<16xf32>,
      %swap3A_35 = vector.shape_cast %swap3A_34 : vector<16xf32> to vector<16xf32>
      %swap3A_36 = vector.shape_cast %broadcast_in_dim3A_3 : vector<16xf32> to vector<16xf32>
      tpu.vector_store %arg9[%swap3A_33], %swap3A_36 {strides = array<i32>} : memref<320xf32, #tpu.memory_space<vmem>>, vector<16xf32>,
      %swap3A_37 = arith.constant 16 : index
      %swap3A_38 = tpu.vector_load %arg10[%swap3A_37] {strides = array<i32>} : memref<320xf32, #tpu.memory_space<vmem>>, vector<16xf32>,
      %swap3A_39 = vector.shape_cast %swap3A_38 : vector<16xf32> to vector<16xf32>
      %swap3A_40 = vector.shape_cast %broadcast_in_dim3A_5 : vector<16xf32> to vector<16xf32>
      tpu.vector_store %arg10[%swap3A_37], %swap3A_40 {strides = array<i32>} : memref<320xf32, #tpu.memory_space<vmem>>, vector<16xf32>,
      %swap3A_41 = arith.constant 16 : index
      %swap3A_42 = tpu.vector_load %arg11[%swap3A_41] {strides = array<i32>} : memref<320xf32, #tpu.memory_space<vmem>>, vector<16xf32>,
      %swap3A_43 = vector.shape_cast %swap3A_42 : vector<16xf32> to vector<16xf32>
      %swap3A_44 = vector.shape_cast %broadcast_in_dim3A_5 : vector<16xf32> to vector<16xf32>
      tpu.vector_store %arg11[%swap3A_41], %swap3A_44 {strides = array<i32>} : memref<320xf32, #tpu.memory_space<vmem>>, vector<16xf32>,
      %swap3A_45 = arith.constant 32 : index
      %swap3A_46 = tpu.vector_load %arg7[%swap3A_45] {strides = array<i32>} : memref<320xf32, #tpu.memory_space<vmem>>, vector<16xf32>,
      %swap3A_47 = vector.shape_cast %swap3A_46 : vector<16xf32> to vector<16xf32>
      %swap3A_48 = vector.shape_cast %broadcast_in_dim3A_3 : vector<16xf32> to vector<16xf32>
      tpu.vector_store %arg7[%swap3A_45], %swap3A_48 {strides = array<i32>} : memref<320xf32, #tpu.memory_space<vmem>>, vector<16xf32>,
      %swap3A_49 = arith.constant 32 : index
      %swap3A_50 = tpu.vector_load %arg8[%swap3A_49] {strides = array<i32>} : memref<320xf32, #tpu.memory_space<vmem>>, vector<16xf32>,
      %swap3A_51 = vector.shape_cast %swap3A_50 : vector<16xf32> to vector<16xf32>
      %swap3A_52 = vector.shape_cast %broadcast_in_dim3A_5 : vector<16xf32> to vector<16xf32>
      tpu.vector_store %arg8[%swap3A_49], %swap3A_52 {strides = array<i32>} : memref<320xf32, #tpu.memory_space<vmem>>, vector<16xf32>,
      %swap3A_53 = arith.constant 32 : index
      %swap3A_54 = tpu.vector_load %arg9[%swap3A_53] {strides = array<i32>} : memref<320xf32, #tpu.memory_space<vmem>>, vector<16xf32>,
      %swap3A_55 = vector.shape_cast %swap3A_54 : vector<16xf32> to vector<16xf32>
      %swap3A_56 = vector.shape_cast %broadcast_in_dim3A_3 : vector<16xf32> to vector<16xf32>
      tpu.vector_store %arg9[%swap3A_53], %swap3A_56 {strides = array<i32>} : memref<320xf32, #tpu.memory_space<vmem>>, vector<16xf32>,
      %swap3A_57 = arith.constant 32 : index
      %swap3A_58 = tpu.vector_load %arg10[%swap3A_57] {strides = array<i32>} : memref<320xf32, #tpu.memory_space<vmem>>, vector<16xf32>,
      %swap3A_59 = vector.shape_cast %swap3A_58 : vector<16xf32> to vector<16xf32>
      %swap3A_60 = vector.shape_cast %broadcast_in_dim3A_5 : vector<16xf32> to vector<16xf32>
      tpu.vector_store %arg10[%swap3A_57], %swap3A_60 {strides = array<i32>} : memref<320xf32, #tpu.memory_space<vmem>>, vector<16xf32>,
      %swap3A_61 = arith.constant 32 : index
      %swap3A_62 = tpu.vector_load %arg11[%swap3A_61] {strides = array<i32>} : memref<320xf32, #tpu.memory_space<vmem>>, vector<16xf32>,
      %swap3A_63 = vector.shape_cast %swap3A_62 : vector<16xf32> to vector<16xf32>
      %swap3A_64 = vector.shape_cast %broadcast_in_dim3A_5 : vector<16xf32> to vector<16xf32>
      tpu.vector_store %arg11[%swap3A_61], %swap3A_64 {strides = array<i32>} : memref<320xf32, #tpu.memory_space<vmem>>, vector<16xf32>,
      %swap3A_65 = arith.constant 48 : index
      %swap3A_66 = tpu.vector_load %arg7[%swap3A_65] {strides = array<i32>} : memref<320xf32, #tpu.memory_space<vmem>>, vector<16xf32>,
      %swap3A_67 = vector.shape_cast %swap3A_66 : vector<16xf32> to vector<16xf32>
      %swap3A_68 = vector.shape_cast %broadcast_in_dim3A_3 : vector<16xf32> to vector<16xf32>
      tpu.vector_store %arg7[%swap3A_65], %swap3A_68 {strides = array<i32>} : memref<320xf32, #tpu.memory_space<vmem>>, vector<16xf32>,
      %swap3A_69 = arith.constant 48 : index
      %swap3A_70 = tpu.vector_load %arg8[%swap3A_69] {strides = array<i32>} : memref<320xf32, #tpu.memory_space<vmem>>, vector<16xf32>,
      %swap3A_71 = vector.shape_cast %swap3A_70 : vector<16xf32> to vector<16xf32>
      %swap3A_72 = vector.shape_cast %broadcast_in_dim3A_5 : vector<16xf32> to vector<16xf32>
      tpu.vector_store %arg8[%swap3A_69], %swap3A_72 {strides = array<i32>} : memref<320xf32, #tpu.memory_space<vmem>>, vector<16xf32>,
      %swap3A_73 = arith.constant 48 : index
      %swap3A_74 = tpu.vector_load %arg9[%swap3A_73] {strides = array<i32>} : memref<320xf32, #tpu.memory_space<vmem>>, vector<16xf32>,
      %swap3A_75 = vector.shape_cast %swap3A_74 : vector<16xf32> to vector<16xf32>
      %swap3A_76 = vector.shape_cast %broadcast_in_dim3A_3 : vector<16xf32> to vector<16xf32>
      tpu.vector_store %arg9[%swap3A_73], %swap3A_76 {strides = array<i32>} : memref<320xf32, #tpu.memory_space<vmem>>, vector<16xf32>,
      %swap3A_77 = arith.constant 48 : index
      %swap3A_78 = tpu.vector_load %arg10[%swap3A_77] {strides = array<i32>} : memref<320xf32, #tpu.memory_space<vmem>>, vector<16xf32>,
      %swap3A_79 = vector.shape_cast %swap3A_78 : vector<16xf32> to vector<16xf32>
      %swap3A_80 = vector.shape_cast %broadcast_in_dim3A_5 : vector<16xf32> to vector<16xf32>
      tpu.vector_store %arg10[%swap3A_77], %swap3A_80 {strides = array<i32>} : memref<320xf32, #tpu.memory_space<vmem>>, vector<16xf32>,
      %swap3A_81 = arith.constant 48 : index
      %swap3A_82 = tpu.vector_load %arg11[%swap3A_81] {strides = array<i32>} : memref<320xf32, #tpu.memory_space<vmem>>, vector<16xf32>,
      %swap3A_83 = vector.shape_cast %swap3A_82 : vector<16xf32> to vector<16xf32>
      %swap3A_84 = vector.shape_cast %broadcast_in_dim3A_5 : vector<16xf32> to vector<16xf32>
      tpu.vector_store %arg11[%swap3A_81], %swap3A_84 {strides = array<i32>} : memref<320xf32, #tpu.memory_space<vmem>>, vector<16xf32>,
      %swap3A_85 = arith.constant 64 : index
      %swap3A_86 = tpu.vector_load %arg7[%swap3A_85] {strides = array<i32>} : memref<320xf32, #tpu.memory_space<vmem>>, vector<16xf32>,
      %swap3A_87 = vector.shape_cast %swap3A_86 : vector<16xf32> to vector<16xf32>
      %swap3A_88 = vector.shape_cast %broadcast_in_dim3A_3 : vector<16xf32> to vector<16xf32>
      tpu.vector_store %arg7[%swap3A_85], %swap3A_88 {strides = array<i32>} : memref<320xf32, #tpu.memory_space<vmem>>, vector<16xf32>,
      %swap3A_89 = arith.constant 64 : index
      %swap3A_90 = tpu.vector_load %arg8[%swap3A_89] {strides = array<i32>} : memref<320xf32, #tpu.memory_space<vmem>>, vector<16xf32>,
      %swap3A_91 = vector.shape_cast %swap3A_90 : vector<16xf32> to vector<16xf32>
      %swap3A_92 = vector.shape_cast %broadcast_in_dim3A_5 : vector<16xf32> to vector<16xf32>
      tpu.vector_store %arg8[%swap3A_89], %swap3A_92 {strides = array<i32>} : memref<320xf32, #tpu.memory_space<vmem>>, vector<16xf32>,
      %swap3A_93 = arith.constant 64 : index
      %swap3A_94 = tpu.vector_load %arg9[%swap3A_93] {strides = array<i32>} : memref<320xf32, #tpu.memory_space<vmem>>, vector<16xf32>,
      %swap3A_95 = vector.shape_cast %swap3A_94 : vector<16xf32> to vector<16xf32>
      %swap3A_96 = vector.shape_cast %broadcast_in_dim3A_3 : vector<16xf32> to vector<16xf32>
      tpu.vector_store %arg9[%swap3A_93], %swap3A_96 {strides = array<i32>} : memref<320xf32, #tpu.memory_space<vmem>>, vector<16xf32>,
      %swap3A_97 = arith.constant 64 : index
      %swap3A_98 = tpu.vector_load %arg10[%swap3A_97] {strides = array<i32>} : memref<320xf32, #tpu.memory_space<vmem>>, vector<16xf32>,
      %swap3A_99 = vector.shape_cast %swap3A_98 : vector<16xf32> to vector<16xf32>
      %swap3A_100 = vector.shape_cast %broadcast_in_dim3A_5 : vector<16xf32> to vector<16xf32>
      tpu.vector_store %arg10[%swap3A_97], %swap3A_100 {strides = array<i32>} : memref<320xf32, #tpu.memory_space<vmem>>, vector<16xf32>,
      %swap3A_101 = arith.constant 64 : index
      %swap3A_102 = tpu.vector_load %arg11[%swap3A_101] {strides = array<i32>} : memref<320xf32, #tpu.memory_space<vmem>>, vector<16xf32>,
      %swap3A_103 = vector.shape_cast %swap3A_102 : vector<16xf32> to vector<16xf32>
      %swap3A_104 = vector.shape_cast %broadcast_in_dim3A_5 : vector<16xf32> to vector<16xf32>
      tpu.vector_store %arg11[%swap3A_101], %swap3A_104 {strides = array<i32>} : memref<320xf32, #tpu.memory_space<vmem>>, vector<16xf32>,
      %swap3A_105 = arith.constant 80 : index
      %swap3A_106 = tpu.vector_load %arg7[%swap3A_105] {strides = array<i32>} : memref<320xf32, #tpu.memory_space<vmem>>, vector<16xf32>,
      %swap3A_107 = vector.shape_cast %swap3A_106 : vector<16xf32> to vector<16xf32>
      %swap3A_108 = vector.shape_cast %broadcast_in_dim3A_3 : vector<16xf32> to vector<16xf32>
      tpu.vector_store %arg7[%swap3A_105], %swap3A_108 {strides = array<i32>} : memref<320xf32, #tpu.memory_space<vmem>>, vector<16xf32>,
      %swap3A_109 = arith.constant 80 : index
      %swap3A_110 = tpu.vector_load %arg8[%swap3A_109] {strides = array<i32>} : memref<320xf32, #tpu.memory_space<vmem>>, vector<16xf32>,
      %swap3A_111 = vector.shape_cast %swap3A_110 : vector<16xf32> to vector<16xf32>
      %swap3A_112 = vector.shape_cast %broadcast_in_dim3A_5 : vector<16xf32> to vector<16xf32>
      tpu.vector_store %arg8[%swap3A_109], %swap3A_112 {strides = array<i32>} : memref<320xf32, #tpu.memory_space<vmem>>, vector<16xf32>,
      %swap3A_113 = arith.constant 80 : index
      %swap3A_114 = tpu.vector_load %arg9[%swap3A_113] {strides = array<i32>} : memref<320xf32, #tpu.memory_space<vmem>>, vector<16xf32>,
      %swap3A_115 = vector.shape_cast %swap3A_114 : vector<16xf32> to vector<16xf32>
      %swap3A_116 = vector.shape_cast %broadcast_in_dim3A_3 : vector<16xf32> to vector<16xf32>
      tpu.vector_store %arg9[%swap3A_113], %swap3A_116 {strides = array<i32>} : memref<320xf32, #tpu.memory_space<vmem>>, vector<16xf32>,
      %swap3A_117 = arith.constant 80 : index
      %swap3A_118 = tpu.vector_load %arg10[%swap3A_117] {strides = array<i32>} : memref<320xf32, #tpu.memory_space<vmem>>, vector<16xf32>,
      %swap3A_119 = vector.shape_cast %swap3A_118 : vector<16xf32> to vector<16xf32>
      %swap3A_120 = vector.shape_cast %broadcast_in_dim3A_5 : vector<16xf32> to vector<16xf32>
      tpu.vector_store %arg10[%swap3A_117], %swap3A_120 {strides = array<i32>} : memref<320xf32, #tpu.memory_space<vmem>>, vector<16xf32>,
      %swap3A_121 = arith.constant 80 : index
      %swap3A_122 = tpu.vector_load %arg11[%swap3A_121] {strides = array<i32>} : memref<320xf32, #tpu.memory_space<vmem>>, vector<16xf32>,
      %swap3A_123 = vector.shape_cast %swap3A_122 : vector<16xf32> to vector<16xf32>
      %swap3A_124 = vector.shape_cast %broadcast_in_dim3A_5 : vector<16xf32> to vector<16xf32>
      tpu.vector_store %arg11[%swap3A_121], %swap3A_124 {strides = array<i32>} : memref<320xf32, #tpu.memory_space<vmem>>, vector<16xf32>,
      %swap3A_125 = arith.constant 96 : index
      %swap3A_126 = tpu.vector_load %arg7[%swap3A_125] {strides = array<i32>} : memref<320xf32, #tpu.memory_space<vmem>>, vector<16xf32>,
      %swap3A_127 = vector.shape_cast %swap3A_126 : vector<16xf32> to vector<16xf32>
      %swap3A_128 = vector.shape_cast %broadcast_in_dim3A_3 : vector<16xf32> to vector<16xf32>
      tpu.vector_store %arg7[%swap3A_125], %swap3A_128 {strides = array<i32>} : memref<320xf32, #tpu.memory_space<vmem>>, vector<16xf32>,
      %swap3A_129 = arith.constant 96 : index
      %swap3A_130 = tpu.vector_load %arg8[%swap3A_129] {strides = array<i32>} : memref<320xf32, #tpu.memory_space<vmem>>, vector<16xf32>,
      %swap3A_131 = vector.shape_cast %swap3A_130 : vector<16xf32> to vector<16xf32>
      %swap3A_132 = vector.shape_cast %broadcast_in_dim3A_5 : vector<16xf32> to vector<16xf32>
      tpu.vector_store %arg8[%swap3A_129], %swap3A_132 {strides = array<i32>} : memref<320xf32, #tpu.memory_space<vmem>>, vector<16xf32>,
      %swap3A_133 = arith.constant 96 : index
      %swap3A_134 = tpu.vector_load %arg9[%swap3A_133] {strides = array<i32>} : memref<320xf32, #tpu.memory_space<vmem>>, vector<16xf32>,
      %swap3A_135 = vector.shape_cast %swap3A_134 : vector<16xf32> to vector<16xf32>
      %swap3A_136 = vector.shape_cast %broadcast_in_dim3A_3 : vector<16xf32> to vector<16xf32>
      tpu.vector_store %arg9[%swap3A_133], %swap3A_136 {strides = array<i32>} : memref<320xf32, #tpu.memory_space<vmem>>, vector<16xf32>,
      %swap3A_137 = arith.constant 96 : index
      %swap3A_138 = tpu.vector_load %arg10[%swap3A_137] {strides = array<i32>} : memref<320xf32, #tpu.memory_space<vmem>>, vector<16xf32>,
      %swap3A_139 = vector.shape_cast %swap3A_138 : vector<16xf32> to vector<16xf32>
      %swap3A_140 = vector.shape_cast %broadcast_in_dim3A_5 : vector<16xf32> to vector<16xf32>
      tpu.vector_store %arg10[%swap3A_137], %swap3A_140 {strides = array<i32>} : memref<320xf32, #tpu.memory_space<vmem>>, vector<16xf32>,
      %swap3A_141 = arith.constant 96 : index
      %swap3A_142 = tpu.vector_load %arg11[%swap3A_141] {strides = array<i32>} : memref<320xf32, #tpu.memory_space<vmem>>, vector<16xf32>,
      %swap3A_143 = vector.shape_cast %swap3A_142 : vector<16xf32> to vector<16xf32>
      %swap3A_144 = vector.shape_cast %broadcast_in_dim3A_5 : vector<16xf32> to vector<16xf32>
      tpu.vector_store %arg11[%swap3A_141], %swap3A_144 {strides = array<i32>} : memref<320xf32, #tpu.memory_space<vmem>>, vector<16xf32>,
      %swap3A_145 = arith.constant 112 : index
      %swap3A_146 = tpu.vector_load %arg7[%swap3A_145] {strides = array<i32>} : memref<320xf32, #tpu.memory_space<vmem>>, vector<16xf32>,
      %swap3A_147 = vector.shape_cast %swap3A_146 : vector<16xf32> to vector<16xf32>
      %swap3A_148 = vector.shape_cast %broadcast_in_dim3A_3 : vector<16xf32> to vector<16xf32>
      tpu.vector_store %arg7[%swap3A_145], %swap3A_148 {strides = array<i32>} : memref<320xf32, #tpu.memory_space<vmem>>, vector<16xf32>,
      %swap3A_149 = arith.constant 112 : index
      %swap3A_150 = tpu.vector_load %arg8[%swap3A_149] {strides = array<i32>} : memref<320xf32, #tpu.memory_space<vmem>>, vector<16xf32>,
      %swap3A_151 = vector.shape_cast %swap3A_150 : vector<16xf32> to vector<16xf32>
      %swap3A_152 = vector.shape_cast %broadcast_in_dim3A_5 : vector<16xf32> to vector<16xf32>
      tpu.vector_store %arg8[%swap3A_149], %swap3A_152 {strides = array<i32>} : memref<320xf32, #tpu.memory_space<vmem>>, vector<16xf32>,
      %swap3A_153 = arith.constant 112 : index
      %swap3A_154 = tpu.vector_load %arg9[%swap3A_153] {strides = array<i32>} : memref<320xf32, #tpu.memory_space<vmem>>, vector<16xf32>,
      %swap3A_155 = vector.shape_cast %swap3A_154 : vector<16xf32> to vector<16xf32>
      %swap3A_156 = vector.shape_cast %broadcast_in_dim3A_3 : vector<16xf32> to vector<16xf32>
      tpu.vector_store %arg9[%swap3A_153], %swap3A_156 {strides = array<i32>} : memref<320xf32, #tpu.memory_space<vmem>>, vector<16xf32>,
      %swap3A_157 = arith.constant 112 : index
      %swap3A_158 = tpu.vector_load %arg10[%swap3A_157] {strides = array<i32>} : memref<320xf32, #tpu.memory_space<vmem>>, vector<16xf32>,
      %swap3A_159 = vector.shape_cast %swap3A_158 : vector<16xf32> to vector<16xf32>
      %swap3A_160 = vector.shape_cast %broadcast_in_dim3A_5 : vector<16xf32> to vector<16xf32>
      tpu.vector_store %arg10[%swap3A_157], %swap3A_160 {strides = array<i32>} : memref<320xf32, #tpu.memory_space<vmem>>, vector<16xf32>,
      %swap3A_161 = arith.constant 112 : index
      %swap3A_162 = tpu.vector_load %arg11[%swap3A_161] {strides = array<i32>} : memref<320xf32, #tpu.memory_space<vmem>>, vector<16xf32>,
      %swap3A_163 = vector.shape_cast %swap3A_162 : vector<16xf32> to vector<16xf32>
      %swap3A_164 = vector.shape_cast %broadcast_in_dim3A_5 : vector<16xf32> to vector<16xf32>
      tpu.vector_store %arg11[%swap3A_161], %swap3A_164 {strides = array<i32>} : memref<320xf32, #tpu.memory_space<vmem>>, vector<16xf32>,
      %swap3A_165 = arith.constant 128 : index
      %swap3A_166 = tpu.vector_load %arg7[%swap3A_165] {strides = array<i32>} : memref<320xf32, #tpu.memory_space<vmem>>, vector<16xf32>,
      %swap3A_167 = vector.shape_cast %swap3A_166 : vector<16xf32> to vector<16xf32>
      %swap3A_168 = vector.shape_cast %broadcast_in_dim3A_3 : vector<16xf32> to vector<16xf32>
      tpu.vector_store %arg7[%swap3A_165], %swap3A_168 {strides = array<i32>} : memref<320xf32, #tpu.memory_space<vmem>>, vector<16xf32>,
      %swap3A_169 = arith.constant 128 : index
      %swap3A_170 = tpu.vector_load %arg8[%swap3A_169] {strides = array<i32>} : memref<320xf32, #tpu.memory_space<vmem>>, vector<16xf32>,
      %swap3A_171 = vector.shape_cast %swap3A_170 : vector<16xf32> to vector<16xf32>
      %swap3A_172 = vector.shape_cast %broadcast_in_dim3A_5 : vector<16xf32> to vector<16xf32>
      tpu.vector_store %arg8[%swap3A_169], %swap3A_172 {strides = array<i32>} : memref<320xf32, #tpu.memory_space<vmem>>, vector<16xf32>,
      %swap3A_173 = arith.constant 128 : index
      %swap3A_174 = tpu.vector_load %arg9[%swap3A_173] {strides = array<i32>} : memref<320xf32, #tpu.memory_space<vmem>>, vector<16xf32>,
      %swap3A_175 = vector.shape_cast %swap3A_174 : vector<16xf32> to vector<16xf32>
      %swap3A_176 = vector.shape_cast %broadcast_in_dim3A_3 : vector<16xf32> to vector<16xf32>
      tpu.vector_store %arg9[%swap3A_173], %swap3A_176 {strides = array<i32>} : memref<320xf32, #tpu.memory_space<vmem>>, vector<16xf32>,
      %swap3A_177 = arith.constant 128 : index
      %swap3A_178 = tpu.vector_load %arg10[%swap3A_177] {strides = array<i32>} : memref<320xf32, #tpu.memory_space<vmem>>, vector<16xf32>,
      %swap3A_179 = vector.shape_cast %swap3A_178 : vector<16xf32> to vector<16xf32>
      %swap3A_180 = vector.shape_cast %broadcast_in_dim3A_5 : vector<16xf32> to vector<16xf32>
      tpu.vector_store %arg10[%swap3A_177], %swap3A_180 {strides = array<i32>} : memref<320xf32, #tpu.memory_space<vmem>>, vector<16xf32>,
      %swap3A_181 = arith.constant 128 : index
      %swap3A_182 = tpu.vector_load %arg11[%swap3A_181] {strides = array<i32>} : memref<320xf32, #tpu.memory_space<vmem>>, vector<16xf32>,
      %swap3A_183 = vector.shape_cast %swap3A_182 : vector<16xf32> to vector<16xf32>
      %swap3A_184 = vector.shape_cast %broadcast_in_dim3A_5 : vector<16xf32> to vector<16xf32>
      tpu.vector_store %arg11[%swap3A_181], %swap3A_184 {strides = array<i32>} : memref<320xf32, #tpu.memory_space<vmem>>, vector<16xf32>,
      %swap3A_185 = arith.constant 144 : index
      %swap3A_186 = tpu.vector_load %arg7[%swap3A_185] {strides = array<i32>} : memref<320xf32, #tpu.memory_space<vmem>>, vector<16xf32>,
      %swap3A_187 = vector.shape_cast %swap3A_186 : vector<16xf32> to vector<16xf32>
      %swap3A_188 = vector.shape_cast %broadcast_in_dim3A_3 : vector<16xf32> to vector<16xf32>
      tpu.vector_store %arg7[%swap3A_185], %swap3A_188 {strides = array<i32>} : memref<320xf32, #tpu.memory_space<vmem>>, vector<16xf32>,
      %swap3A_189 = arith.constant 144 : index
      %swap3A_190 = tpu.vector_load %arg8[%swap3A_189] {strides = array<i32>} : memref<320xf32, #tpu.memory_space<vmem>>, vector<16xf32>,
      %swap3A_191 = vector.shape_cast %swap3A_190 : vector<16xf32> to vector<16xf32>
      %swap3A_192 = vector.shape_cast %broadcast_in_dim3A_5 : vector<16xf32> to vector<16xf32>
      tpu.vector_store %arg8[%swap3A_189], %swap3A_192 {strides = array<i32>} : memref<320xf32, #tpu.memory_space<vmem>>, vector<16xf32>,
      %swap3A_193 = arith.constant 144 : index
      %swap3A_194 = tpu.vector_load %arg9[%swap3A_193] {strides = array<i32>} : memref<320xf32, #tpu.memory_space<vmem>>, vector<16xf32>,
      %swap3A_195 = vector.shape_cast %swap3A_194 : vector<16xf32> to vector<16xf32>
      %swap3A_196 = vector.shape_cast %broadcast_in_dim3A_3 : vector<16xf32> to vector<16xf32>
      tpu.vector_store %arg9[%swap3A_193], %swap3A_196 {strides = array<i32>} : memref<320xf32, #tpu.memory_space<vmem>>, vector<16xf32>,
      %swap3A_197 = arith.constant 144 : index
      %swap3A_198 = tpu.vector_load %arg10[%swap3A_197] {strides = array<i32>} : memref<320xf32, #tpu.memory_space<vmem>>, vector<16xf32>,
      %swap3A_199 = vector.shape_cast %swap3A_198 : vector<16xf32> to vector<16xf32>
      %swap3A_200 = vector.shape_cast %broadcast_in_dim3A_5 : vector<16xf32> to vector<16xf32>
      tpu.vector_store %arg10[%swap3A_197], %swap3A_200 {strides = array<i32>} : memref<320xf32, #tpu.memory_space<vmem>>, vector<16xf32>,
      %swap3A_201 = arith.constant 144 : index
      %swap3A_202 = tpu.vector_load %arg11[%swap3A_201] {strides = array<i32>} : memref<320xf32, #tpu.memory_space<vmem>>, vector<16xf32>,
      %swap3A_203 = vector.shape_cast %swap3A_202 : vector<16xf32> to vector<16xf32>
      %swap3A_204 = vector.shape_cast %broadcast_in_dim3A_5 : vector<16xf32> to vector<16xf32>
      tpu.vector_store %arg11[%swap3A_201], %swap3A_204 {strides = array<i32>} : memref<320xf32, #tpu.memory_space<vmem>>, vector<16xf32>,
      %swap3A_205 = arith.constant 160 : index
      %swap3A_206 = tpu.vector_load %arg7[%swap3A_205] {strides = array<i32>} : memref<320xf32, #tpu.memory_space<vmem>>, vector<16xf32>,
      %swap3A_207 = vector.shape_cast %swap3A_206 : vector<16xf32> to vector<16xf32>
      %swap3A_208 = vector.shape_cast %broadcast_in_dim3A_3 : vector<16xf32> to vector<16xf32>
      tpu.vector_store %arg7[%swap3A_205], %swap3A_208 {strides = array<i32>} : memref<320xf32, #tpu.memory_space<vmem>>, vector<16xf32>,
      %swap3A_209 = arith.constant 160 : index
      %swap3A_210 = tpu.vector_load %arg8[%swap3A_209] {strides = array<i32>} : memref<320xf32, #tpu.memory_space<vmem>>, vector<16xf32>,
      %swap3A_211 = vector.shape_cast %swap3A_210 : vector<16xf32> to vector<16xf32>
      %swap3A_212 = vector.shape_cast %broadcast_in_dim3A_5 : vector<16xf32> to vector<16xf32>
      tpu.vector_store %arg8[%swap3A_209], %swap3A_212 {strides = array<i32>} : memref<320xf32, #tpu.memory_space<vmem>>, vector<16xf32>,
      %swap3A_213 = arith.constant 160 : index
      %swap3A_214 = tpu.vector_load %arg9[%swap3A_213] {strides = array<i32>} : memref<320xf32, #tpu.memory_space<vmem>>, vector<16xf32>,
      %swap3A_215 = vector.shape_cast %swap3A_214 : vector<16xf32> to vector<16xf32>
      %swap3A_216 = vector.shape_cast %broadcast_in_dim3A_3 : vector<16xf32> to vector<16xf32>
      tpu.vector_store %arg9[%swap3A_213], %swap3A_216 {strides = array<i32>} : memref<320xf32, #tpu.memory_space<vmem>>, vector<16xf32>,
      %swap3A_217 = arith.constant 160 : index
      %swap3A_218 = tpu.vector_load %arg10[%swap3A_217] {strides = array<i32>} : memref<320xf32, #tpu.memory_space<vmem>>, vector<16xf32>,
      %swap3A_219 = vector.shape_cast %swap3A_218 : vector<16xf32> to vector<16xf32>
      %swap3A_220 = vector.shape_cast %broadcast_in_dim3A_5 : vector<16xf32> to vector<16xf32>
      tpu.vector_store %arg10[%swap3A_217], %swap3A_220 {strides = array<i32>} : memref<320xf32, #tpu.memory_space<vmem>>, vector<16xf32>,
      %swap3A_221 = arith.constant 160 : index
      %swap3A_222 = tpu.vector_load %arg11[%swap3A_221] {strides = array<i32>} : memref<320xf32, #tpu.memory_space<vmem>>, vector<16xf32>,
      %swap3A_223 = vector.shape_cast %swap3A_222 : vector<16xf32> to vector<16xf32>
      %swap3A_224 = vector.shape_cast %broadcast_in_dim3A_5 : vector<16xf32> to vector<16xf32>
      tpu.vector_store %arg11[%swap3A_221], %swap3A_224 {strides = array<i32>} : memref<320xf32, #tpu.memory_space<vmem>>, vector<16xf32>,
      %swap3A_225 = arith.constant 176 : index
      %swap3A_226 = tpu.vector_load %arg7[%swap3A_225] {strides = array<i32>} : memref<320xf32, #tpu.memory_space<vmem>>, vector<16xf32>,
      %swap3A_227 = vector.shape_cast %swap3A_226 : vector<16xf32> to vector<16xf32>
      %swap3A_228 = vector.shape_cast %broadcast_in_dim3A_3 : vector<16xf32> to vector<16xf32>
      tpu.vector_store %arg7[%swap3A_225], %swap3A_228 {strides = array<i32>} : memref<320xf32, #tpu.memory_space<vmem>>, vector<16xf32>,
      %swap3A_229 = arith.constant 176 : index
      %swap3A_230 = tpu.vector_load %arg8[%swap3A_229] {strides = array<i32>} : memref<320xf32, #tpu.memory_space<vmem>>, vector<16xf32>,
      %swap3A_231 = vector.shape_cast %swap3A_230 : vector<16xf32> to vector<16xf32>
      %swap3A_232 = vector.shape_cast %broadcast_in_dim3A_5 : vector<16xf32> to vector<16xf32>
      tpu.vector_store %arg8[%swap3A_229], %swap3A_232 {strides = array<i32>} : memref<320xf32, #tpu.memory_space<vmem>>, vector<16xf32>,
      %swap3A_233 = arith.constant 176 : index
      %swap3A_234 = tpu.vector_load %arg9[%swap3A_233] {strides = array<i32>} : memref<320xf32, #tpu.memory_space<vmem>>, vector<16xf32>,
      %swap3A_235 = vector.shape_cast %swap3A_234 : vector<16xf32> to vector<16xf32>
      %swap3A_236 = vector.shape_cast %broadcast_in_dim3A_3 : vector<16xf32> to vector<16xf32>
      tpu.vector_store %arg9[%swap3A_233], %swap3A_236 {strides = array<i32>} : memref<320xf32, #tpu.memory_space<vmem>>, vector<16xf32>,
      %swap3A_237 = arith.constant 176 : index
      %swap3A_238 = tpu.vector_load %arg10[%swap3A_237] {strides = array<i32>} : memref<320xf32, #tpu.memory_space<vmem>>, vector<16xf32>,
      %swap3A_239 = vector.shape_cast %swap3A_238 : vector<16xf32> to vector<16xf32>
      %swap3A_240 = vector.shape_cast %broadcast_in_dim3A_5 : vector<16xf32> to vector<16xf32>
      tpu.vector_store %arg10[%swap3A_237], %swap3A_240 {strides = array<i32>} : memref<320xf32, #tpu.memory_space<vmem>>, vector<16xf32>,
      %swap3A_241 = arith.constant 176 : index
      %swap3A_242 = tpu.vector_load %arg11[%swap3A_241] {strides = array<i32>} : memref<320xf32, #tpu.memory_space<vmem>>, vector<16xf32>,
      %swap3A_243 = vector.shape_cast %swap3A_242 : vector<16xf32> to vector<16xf32>
      %swap3A_244 = vector.shape_cast %broadcast_in_dim3A_5 : vector<16xf32> to vector<16xf32>
      tpu.vector_store %arg11[%swap3A_241], %swap3A_244 {strides = array<i32>} : memref<320xf32, #tpu.memory_space<vmem>>, vector<16xf32>,
      %swap3A_245 = arith.constant 192 : index
      %swap3A_246 = tpu.vector_load %arg7[%swap3A_245] {strides = array<i32>} : memref<320xf32, #tpu.memory_space<vmem>>, vector<16xf32>,
      %swap3A_247 = vector.shape_cast %swap3A_246 : vector<16xf32> to vector<16xf32>
      %swap3A_248 = vector.shape_cast %broadcast_in_dim3A_3 : vector<16xf32> to vector<16xf32>
      tpu.vector_store %arg7[%swap3A_245], %swap3A_248 {strides = array<i32>} : memref<320xf32, #tpu.memory_space<vmem>>, vector<16xf32>,
      %swap3A_249 = arith.constant 192 : index
      %swap3A_250 = tpu.vector_load %arg8[%swap3A_249] {strides = array<i32>} : memref<320xf32, #tpu.memory_space<vmem>>, vector<16xf32>,
      %swap3A_251 = vector.shape_cast %swap3A_250 : vector<16xf32> to vector<16xf32>
      %swap3A_252 = vector.shape_cast %broadcast_in_dim3A_5 : vector<16xf32> to vector<16xf32>
      tpu.vector_store %arg8[%swap3A_249], %swap3A_252 {strides = array<i32>} : memref<320xf32, #tpu.memory_space<vmem>>, vector<16xf32>,
      %swap3A_253 = arith.constant 192 : index
      %swap3A_254 = tpu.vector_load %arg9[%swap3A_253] {strides = array<i32>} : memref<320xf32, #tpu.memory_space<vmem>>, vector<16xf32>,
      %swap3A_255 = vector.shape_cast %swap3A_254 : vector<16xf32> to vector<16xf32>
      %swap3A_256 = vector.shape_cast %broadcast_in_dim3A_3 : vector<16xf32> to vector<16xf32>
      tpu.vector_store %arg9[%swap3A_253], %swap3A_256 {strides = array<i32>} : memref<320xf32, #tpu.memory_space<vmem>>, vector<16xf32>,
      %swap3A_257 = arith.constant 192 : index
      %swap3A_258 = tpu.vector_load %arg10[%swap3A_257] {strides = array<i32>} : memref<320xf32, #tpu.memory_space<vmem>>, vector<16xf32>,
      %swap3A_259 = vector.shape_cast %swap3A_258 : vector<16xf32> to vector<16xf32>
      %swap3A_260 = vector.shape_cast %broadcast_in_dim3A_5 : vector<16xf32> to vector<16xf32>
      tpu.vector_store %arg10[%swap3A_257], %swap3A_260 {strides = array<i32>} : memref<320xf32, #tpu.memory_space<vmem>>, vector<16xf32>,
      %swap3A_261 = arith.constant 192 : index
      %swap3A_262 = tpu.vector_load %arg11[%swap3A_261] {strides = array<i32>} : memref<320xf32, #tpu.memory_space<vmem>>, vector<16xf32>,
      %swap3A_263 = vector.shape_cast %swap3A_262 : vector<16xf32> to vector<16xf32>
      %swap3A_264 = vector.shape_cast %broadcast_in_dim3A_5 : vector<16xf32> to vector<16xf32>
      tpu.vector_store %arg11[%swap3A_261], %swap3A_264 {strides = array<i32>} : memref<320xf32, #tpu.memory_space<vmem>>, vector<16xf32>,
      %swap3A_265 = arith.constant 208 : index
      %swap3A_266 = tpu.vector_load %arg7[%swap3A_265] {strides = array<i32>} : memref<320xf32, #tpu.memory_space<vmem>>, vector<16xf32>,
      %swap3A_267 = vector.shape_cast %swap3A_266 : vector<16xf32> to vector<16xf32>
      %swap3A_268 = vector.shape_cast %broadcast_in_dim3A_3 : vector<16xf32> to vector<16xf32>
      tpu.vector_store %arg7[%swap3A_265], %swap3A_268 {strides = array<i32>} : memref<320xf32, #tpu.memory_space<vmem>>, vector<16xf32>,
      %swap3A_269 = arith.constant 208 : index
      %swap3A_270 = tpu.vector_load %arg8[%swap3A_269] {strides = array<i32>} : memref<320xf32, #tpu.memory_space<vmem>>, vector<16xf32>,
      %swap3A_271 = vector.shape_cast %swap3A_270 : vector<16xf32> to vector<16xf32>
      %swap3A_272 = vector.shape_cast %broadcast_in_dim3A_5 : vector<16xf32> to vector<16xf32>
      tpu.vector_store %arg8[%swap3A_269], %swap3A_272 {strides = array<i32>} : memref<320xf32, #tpu.memory_space<vmem>>, vector<16xf32>,
      %swap3A_273 = arith.constant 208 : index
      %swap3A_274 = tpu.vector_load %arg9[%swap3A_273] {strides = array<i32>} : memref<320xf32, #tpu.memory_space<vmem>>, vector<16xf32>,
      %swap3A_275 = vector.shape_cast %swap3A_274 : vector<16xf32> to vector<16xf32>
      %swap3A_276 = vector.shape_cast %broadcast_in_dim3A_3 : vector<16xf32> to vector<16xf32>
      tpu.vector_store %arg9[%swap3A_273], %swap3A_276 {strides = array<i32>} : memref<320xf32, #tpu.memory_space<vmem>>, vector<16xf32>,
      %swap3A_277 = arith.constant 208 : index
      %swap3A_278 = tpu.vector_load %arg10[%swap3A_277] {strides = array<i32>} : memref<320xf32, #tpu.memory_space<vmem>>, vector<16xf32>,
      %swap3A_279 = vector.shape_cast %swap3A_278 : vector<16xf32> to vector<16xf32>
      %swap3A_280 = vector.shape_cast %broadcast_in_dim3A_5 : vector<16xf32> to vector<16xf32>
      tpu.vector_store %arg10[%swap3A_277], %swap3A_280 {strides = array<i32>} : memref<320xf32, #tpu.memory_space<vmem>>, vector<16xf32>,
      %swap3A_281 = arith.constant 208 : index
      %swap3A_282 = tpu.vector_load %arg11[%swap3A_281] {strides = array<i32>} : memref<320xf32, #tpu.memory_space<vmem>>, vector<16xf32>,
      %swap3A_283 = vector.shape_cast %swap3A_282 : vector<16xf32> to vector<16xf32>
      %swap3A_284 = vector.shape_cast %broadcast_in_dim3A_5 : vector<16xf32> to vector<16xf32>
      tpu.vector_store %arg11[%swap3A_281], %swap3A_284 {strides = array<i32>} : memref<320xf32, #tpu.memory_space<vmem>>, vector<16xf32>,
      %swap3A_285 = arith.constant 224 : index
      %swap3A_286 = tpu.vector_load %arg7[%swap3A_285] {strides = array<i32>} : memref<320xf32, #tpu.memory_space<vmem>>, vector<16xf32>,
      %swap3A_287 = vector.shape_cast %swap3A_286 : vector<16xf32> to vector<16xf32>
      %swap3A_288 = vector.shape_cast %broadcast_in_dim3A_3 : vector<16xf32> to vector<16xf32>
      tpu.vector_store %arg7[%swap3A_285], %swap3A_288 {strides = array<i32>} : memref<320xf32, #tpu.memory_space<vmem>>, vector<16xf32>,
      %swap3A_289 = arith.constant 224 : index
      %swap3A_290 = tpu.vector_load %arg8[%swap3A_289] {strides = array<i32>} : memref<320xf32, #tpu.memory_space<vmem>>, vector<16xf32>,
      %swap3A_291 = vector.shape_cast %swap3A_290 : vector<16xf32> to vector<16xf32>
      %swap3A_292 = vector.shape_cast %broadcast_in_dim3A_5 : vector<16xf32> to vector<16xf32>
      tpu.vector_store %arg8[%swap3A_289], %swap3A_292 {strides = array<i32>} : memref<320xf32, #tpu.memory_space<vmem>>, vector<16xf32>,
      %swap3A_293 = arith.constant 224 : index
      %swap3A_294 = tpu.vector_load %arg9[%swap3A_293] {strides = array<i32>} : memref<320xf32, #tpu.memory_space<vmem>>, vector<16xf32>,
      %swap3A_295 = vector.shape_cast %swap3A_294 : vector<16xf32> to vector<16xf32>
      %swap3A_296 = vector.shape_cast %broadcast_in_dim3A_3 : vector<16xf32> to vector<16xf32>
      tpu.vector_store %arg9[%swap3A_293], %swap3A_296 {strides = array<i32>} : memref<320xf32, #tpu.memory_space<vmem>>, vector<16xf32>,
      %swap3A_297 = arith.constant 224 : index
      %swap3A_298 = tpu.vector_load %arg10[%swap3A_297] {strides = array<i32>} : memref<320xf32, #tpu.memory_space<vmem>>, vector<16xf32>,
      %swap3A_299 = vector.shape_cast %swap3A_298 : vector<16xf32> to vector<16xf32>
      %swap3A_300 = vector.shape_cast %broadcast_in_dim3A_5 : vector<16xf32> to vector<16xf32>
      tpu.vector_store %arg10[%swap3A_297], %swap3A_300 {strides = array<i32>} : memref<320xf32, #tpu.memory_space<vmem>>, vector<16xf32>,
      %swap3A_301 = arith.constant 224 : index
      %swap3A_302 = tpu.vector_load %arg11[%swap3A_301] {strides = array<i32>} : memref<320xf32, #tpu.memory_space<vmem>>, vector<16xf32>,
      %swap3A_303 = vector.shape_cast %swap3A_302 : vector<16xf32> to vector<16xf32>
      %swap3A_304 = vector.shape_cast %broadcast_in_dim3A_5 : vector<16xf32> to vector<16xf32>
      tpu.vector_store %arg11[%swap3A_301], %swap3A_304 {strides = array<i32>} : memref<320xf32, #tpu.memory_space<vmem>>, vector<16xf32>,
      %swap3A_305 = arith.constant 240 : index
      %swap3A_306 = tpu.vector_load %arg7[%swap3A_305] {strides = array<i32>} : memref<320xf32, #tpu.memory_space<vmem>>, vector<16xf32>,
      %swap3A_307 = vector.shape_cast %swap3A_306 : vector<16xf32> to vector<16xf32>
      %swap3A_308 = vector.shape_cast %broadcast_in_dim3A_3 : vector<16xf32> to vector<16xf32>
      tpu.vector_store %arg7[%swap3A_305], %swap3A_308 {strides = array<i32>} : memref<320xf32, #tpu.memory_space<vmem>>, vector<16xf32>,
      %swap3A_309 = arith.constant 240 : index
      %swap3A_310 = tpu.vector_load %arg8[%swap3A_309] {strides = array<i32>} : memref<320xf32, #tpu.memory_space<vmem>>, vector<16xf32>,
      %swap3A_311 = vector.shape_cast %swap3A_310 : vector<16xf32> to vector<16xf32>
      %swap3A_312 = vector.shape_cast %broadcast_in_dim3A_5 : vector<16xf32> to vector<16xf32>
      tpu.vector_store %arg8[%swap3A_309], %swap3A_312 {strides = array<i32>} : memref<320xf32, #tpu.memory_space<vmem>>, vector<16xf32>,
      %swap3A_313 = arith.constant 240 : index
      %swap3A_314 = tpu.vector_load %arg9[%swap3A_313] {strides = array<i32>} : memref<320xf32, #tpu.memory_space<vmem>>, vector<16xf32>,
      %swap3A_315 = vector.shape_cast %swap3A_314 : vector<16xf32> to vector<16xf32>
      %swap3A_316 = vector.shape_cast %broadcast_in_dim3A_3 : vector<16xf32> to vector<16xf32>
      tpu.vector_store %arg9[%swap3A_313], %swap3A_316 {strides = array<i32>} : memref<320xf32, #tpu.memory_space<vmem>>, vector<16xf32>,
      %swap3A_317 = arith.constant 240 : index
      %swap3A_318 = tpu.vector_load %arg10[%swap3A_317] {strides = array<i32>} : memref<320xf32, #tpu.memory_space<vmem>>, vector<16xf32>,
      %swap3A_319 = vector.shape_cast %swap3A_318 : vector<16xf32> to vector<16xf32>
      %swap3A_320 = vector.shape_cast %broadcast_in_dim3A_5 : vector<16xf32> to vector<16xf32>
      tpu.vector_store %arg10[%swap3A_317], %swap3A_320 {strides = array<i32>} : memref<320xf32, #tpu.memory_space<vmem>>, vector<16xf32>,
      %swap3A_321 = arith.constant 240 : index
      %swap3A_322 = tpu.vector_load %arg11[%swap3A_321] {strides = array<i32>} : memref<320xf32, #tpu.memory_space<vmem>>, vector<16xf32>,
      %swap3A_323 = vector.shape_cast %swap3A_322 : vector<16xf32> to vector<16xf32>
      %swap3A_324 = vector.shape_cast %broadcast_in_dim3A_5 : vector<16xf32> to vector<16xf32>
      tpu.vector_store %arg11[%swap3A_321], %swap3A_324 {strides = array<i32>} : memref<320xf32, #tpu.memory_space<vmem>>, vector<16xf32>,
      %swap3A_325 = arith.constant 256 : index
      %swap3A_326 = tpu.vector_load %arg7[%swap3A_325] {strides = array<i32>} : memref<320xf32, #tpu.memory_space<vmem>>, vector<16xf32>,
      %swap3A_327 = vector.shape_cast %swap3A_326 : vector<16xf32> to vector<16xf32>
      %swap3A_328 = vector.shape_cast %broadcast_in_dim3A_3 : vector<16xf32> to vector<16xf32>
      tpu.vector_store %arg7[%swap3A_325], %swap3A_328 {strides = array<i32>} : memref<320xf32, #tpu.memory_space<vmem>>, vector<16xf32>,
      %swap3A_329 = arith.constant 256 : index
      %swap3A_330 = tpu.vector_load %arg8[%swap3A_329] {strides = array<i32>} : memref<320xf32, #tpu.memory_space<vmem>>, vector<16xf32>,
      %swap3A_331 = vector.shape_cast %swap3A_330 : vector<16xf32> to vector<16xf32>
      %swap3A_332 = vector.shape_cast %broadcast_in_dim3A_5 : vector<16xf32> to vector<16xf32>
      tpu.vector_store %arg8[%swap3A_329], %swap3A_332 {strides = array<i32>} : memref<320xf32, #tpu.memory_space<vmem>>, vector<16xf32>,
      %swap3A_333 = arith.constant 256 : index
      %swap3A_334 = tpu.vector_load %arg9[%swap3A_333] {strides = array<i32>} : memref<320xf32, #tpu.memory_space<vmem>>, vector<16xf32>,
      %swap3A_335 = vector.shape_cast %swap3A_334 : vector<16xf32> to vector<16xf32>
      %swap3A_336 = vector.shape_cast %broadcast_in_dim3A_3 : vector<16xf32> to vector<16xf32>
      tpu.vector_store %arg9[%swap3A_333], %swap3A_336 {strides = array<i32>} : memref<320xf32, #tpu.memory_space<vmem>>, vector<16xf32>,
      %swap3A_337 = arith.constant 256 : index
      %swap3A_338 = tpu.vector_load %arg10[%swap3A_337] {strides = array<i32>} : memref<320xf32, #tpu.memory_space<vmem>>, vector<16xf32>,
      %swap3A_339 = vector.shape_cast %swap3A_338 : vector<16xf32> to vector<16xf32>
      %swap3A_340 = vector.shape_cast %broadcast_in_dim3A_5 : vector<16xf32> to vector<16xf32>
      tpu.vector_store %arg10[%swap3A_337], %swap3A_340 {strides = array<i32>} : memref<320xf32, #tpu.memory_space<vmem>>, vector<16xf32>,
      %swap3A_341 = arith.constant 256 : index
      %swap3A_342 = tpu.vector_load %arg11[%swap3A_341] {strides = array<i32>} : memref<320xf32, #tpu.memory_space<vmem>>, vector<16xf32>,
      %swap3A_343 = vector.shape_cast %swap3A_342 : vector<16xf32> to vector<16xf32>
      %swap3A_344 = vector.shape_cast %broadcast_in_dim3A_5 : vector<16xf32> to vector<16xf32>
      tpu.vector_store %arg11[%swap3A_341], %swap3A_344 {strides = array<i32>} : memref<320xf32, #tpu.memory_space<vmem>>, vector<16xf32>,
      %swap3A_345 = arith.constant 272 : index
      %swap3A_346 = tpu.vector_load %arg7[%swap3A_345] {strides = array<i32>} : memref<320xf32, #tpu.memory_space<vmem>>, vector<16xf32>,
      %swap3A_347 = vector.shape_cast %swap3A_346 : vector<16xf32> to vector<16xf32>
      %swap3A_348 = vector.shape_cast %broadcast_in_dim3A_3 : vector<16xf32> to vector<16xf32>
      tpu.vector_store %arg7[%swap3A_345], %swap3A_348 {strides = array<i32>} : memref<320xf32, #tpu.memory_space<vmem>>, vector<16xf32>,
      %swap3A_349 = arith.constant 272 : index
      %swap3A_350 = tpu.vector_load %arg8[%swap3A_349] {strides = array<i32>} : memref<320xf32, #tpu.memory_space<vmem>>, vector<16xf32>,
      %swap3A_351 = vector.shape_cast %swap3A_350 : vector<16xf32> to vector<16xf32>
      %swap3A_352 = vector.shape_cast %broadcast_in_dim3A_5 : vector<16xf32> to vector<16xf32>
      tpu.vector_store %arg8[%swap3A_349], %swap3A_352 {strides = array<i32>} : memref<320xf32, #tpu.memory_space<vmem>>, vector<16xf32>,
      %swap3A_353 = arith.constant 272 : index
      %swap3A_354 = tpu.vector_load %arg9[%swap3A_353] {strides = array<i32>} : memref<320xf32, #tpu.memory_space<vmem>>, vector<16xf32>,
      %swap3A_355 = vector.shape_cast %swap3A_354 : vector<16xf32> to vector<16xf32>
      %swap3A_356 = vector.shape_cast %broadcast_in_dim3A_3 : vector<16xf32> to vector<16xf32>
      tpu.vector_store %arg9[%swap3A_353], %swap3A_356 {strides = array<i32>} : memref<320xf32, #tpu.memory_space<vmem>>, vector<16xf32>,
      %swap3A_357 = arith.constant 272 : index
      %swap3A_358 = tpu.vector_load %arg10[%swap3A_357] {strides = array<i32>} : memref<320xf32, #tpu.memory_space<vmem>>, vector<16xf32>,
      %swap3A_359 = vector.shape_cast %swap3A_358 : vector<16xf32> to vector<16xf32>
      %swap3A_360 = vector.shape_cast %broadcast_in_dim3A_5 : vector<16xf32> to vector<16xf32>
      tpu.vector_store %arg10[%swap3A_357], %swap3A_360 {strides = array<i32>} : memref<320xf32, #tpu.memory_space<vmem>>, vector<16xf32>,
      %swap3A_361 = arith.constant 272 : index
      %swap3A_362 = tpu.vector_load %arg11[%swap3A_361] {strides = array<i32>} : memref<320xf32, #tpu.memory_space<vmem>>, vector<16xf32>,
      %swap3A_363 = vector.shape_cast %swap3A_362 : vector<16xf32> to vector<16xf32>
      %swap3A_364 = vector.shape_cast %broadcast_in_dim3A_5 : vector<16xf32> to vector<16xf32>
      tpu.vector_store %arg11[%swap3A_361], %swap3A_364 {strides = array<i32>} : memref<320xf32, #tpu.memory_space<vmem>>, vector<16xf32>,
      %swap3A_365 = arith.constant 288 : index
      %swap3A_366 = tpu.vector_load %arg7[%swap3A_365] {strides = array<i32>} : memref<320xf32, #tpu.memory_space<vmem>>, vector<16xf32>,
      %swap3A_367 = vector.shape_cast %swap3A_366 : vector<16xf32> to vector<16xf32>
      %swap3A_368 = vector.shape_cast %broadcast_in_dim3A_3 : vector<16xf32> to vector<16xf32>
      tpu.vector_store %arg7[%swap3A_365], %swap3A_368 {strides = array<i32>} : memref<320xf32, #tpu.memory_space<vmem>>, vector<16xf32>,
      %swap3A_369 = arith.constant 288 : index
      %swap3A_370 = tpu.vector_load %arg8[%swap3A_369] {strides = array<i32>} : memref<320xf32, #tpu.memory_space<vmem>>, vector<16xf32>,
      %swap3A_371 = vector.shape_cast %swap3A_370 : vector<16xf32> to vector<16xf32>
      %swap3A_372 = vector.shape_cast %broadcast_in_dim3A_5 : vector<16xf32> to vector<16xf32>
      tpu.vector_store %arg8[%swap3A_369], %swap3A_372 {strides = array<i32>} : memref<320xf32, #tpu.memory_space<vmem>>, vector<16xf32>,
      %swap3A_373 = arith.constant 288 : index
      %swap3A_374 = tpu.vector_load %arg9[%swap3A_373] {strides = array<i32>} : memref<320xf32, #tpu.memory_space<vmem>>, vector<16xf32>,
      %swap3A_375 = vector.shape_cast %swap3A_374 : vector<16xf32> to vector<16xf32>
      %swap3A_376 = vector.shape_cast %broadcast_in_dim3A_3 : vector<16xf32> to vector<16xf32>
      tpu.vector_store %arg9[%swap3A_373], %swap3A_376 {strides = array<i32>} : memref<320xf32, #tpu.memory_space<vmem>>, vector<16xf32>,
      %swap3A_377 = arith.constant 288 : index
      %swap3A_378 = tpu.vector_load %arg10[%swap3A_377] {strides = array<i32>} : memref<320xf32, #tpu.memory_space<vmem>>, vector<16xf32>,
      %swap3A_379 = vector.shape_cast %swap3A_378 : vector<16xf32> to vector<16xf32>
      %swap3A_380 = vector.shape_cast %broadcast_in_dim3A_5 : vector<16xf32> to vector<16xf32>
      tpu.vector_store %arg10[%swap3A_377], %swap3A_380 {strides = array<i32>} : memref<320xf32, #tpu.memory_space<vmem>>, vector<16xf32>,
      %swap3A_381 = arith.constant 288 : index
      %swap3A_382 = tpu.vector_load %arg11[%swap3A_381] {strides = array<i32>} : memref<320xf32, #tpu.memory_space<vmem>>, vector<16xf32>,
      %swap3A_383 = vector.shape_cast %swap3A_382 : vector<16xf32> to vector<16xf32>
      %swap3A_384 = vector.shape_cast %broadcast_in_dim3A_5 : vector<16xf32> to vector<16xf32>
      tpu.vector_store %arg11[%swap3A_381], %swap3A_384 {strides = array<i32>} : memref<320xf32, #tpu.memory_space<vmem>>, vector<16xf32>,
      %swap3A_385 = arith.constant 304 : index
      %swap3A_386 = tpu.vector_load %arg7[%swap3A_385] {strides = array<i32>} : memref<320xf32, #tpu.memory_space<vmem>>, vector<16xf32>,
      %swap3A_387 = vector.shape_cast %swap3A_386 : vector<16xf32> to vector<16xf32>
      %swap3A_388 = vector.shape_cast %broadcast_in_dim3A_3 : vector<16xf32> to vector<16xf32>
      tpu.vector_store %arg7[%swap3A_385], %swap3A_388 {strides = array<i32>} : memref<320xf32, #tpu.memory_space<vmem>>, vector<16xf32>,
      %swap3A_389 = arith.constant 304 : index
      %swap3A_390 = tpu.vector_load %arg8[%swap3A_389] {strides = array<i32>} : memref<320xf32, #tpu.memory_space<vmem>>, vector<16xf32>,
      %swap3A_391 = vector.shape_cast %swap3A_390 : vector<16xf32> to vector<16xf32>
      %swap3A_392 = vector.shape_cast %broadcast_in_dim3A_5 : vector<16xf32> to vector<16xf32>
      tpu.vector_store %arg8[%swap3A_389], %swap3A_392 {strides = array<i32>} : memref<320xf32, #tpu.memory_space<vmem>>, vector<16xf32>,
      %swap3A_393 = arith.constant 304 : index
      %swap3A_394 = tpu.vector_load %arg9[%swap3A_393] {strides = array<i32>} : memref<320xf32, #tpu.memory_space<vmem>>, vector<16xf32>,
      %swap3A_395 = vector.shape_cast %swap3A_394 : vector<16xf32> to vector<16xf32>
      %swap3A_396 = vector.shape_cast %broadcast_in_dim3A_3 : vector<16xf32> to vector<16xf32>
      tpu.vector_store %arg9[%swap3A_393], %swap3A_396 {strides = array<i32>} : memref<320xf32, #tpu.memory_space<vmem>>, vector<16xf32>,
      %swap3A_397 = arith.constant 304 : index
      %swap3A_398 = tpu.vector_load %arg10[%swap3A_397] {strides = array<i32>} : memref<320xf32, #tpu.memory_space<vmem>>, vector<16xf32>,
      %swap3A_399 = vector.shape_cast %swap3A_398 : vector<16xf32> to vector<16xf32>
      %swap3A_400 = vector.shape_cast %broadcast_in_dim3A_5 : vector<16xf32> to vector<16xf32>
      tpu.vector_store %arg10[%swap3A_397], %swap3A_400 {strides = array<i32>} : memref<320xf32, #tpu.memory_space<vmem>>, vector<16xf32>,
      %swap3A_401 = arith.constant 304 : index
      %swap3A_402 = tpu.vector_load %arg11[%swap3A_401] {strides = array<i32>} : memref<320xf32, #tpu.memory_space<vmem>>, vector<16xf32>,
      %swap3A_403 = vector.shape_cast %swap3A_402 : vector<16xf32> to vector<16xf32>
      %swap3A_404 = vector.shape_cast %broadcast_in_dim3A_5 : vector<16xf32> to vector<16xf32>
      tpu.vector_store %arg11[%swap3A_401], %swap3A_404 {strides = array<i32>} : memref<320xf32, #tpu.memory_space<vmem>>, vector<16xf32>,
      %iota3A = tpu.iota {dimensions = array<i32: 0>} : vector<16xi32>
      %convert_element_type3A_405 = arith.sitofp %iota3A : vector<16xi32> to vector<16xf32>
      %sub3A = arith.constant 0.000000e+00 : f32
      %sub3A_406 = vector.broadcast %sub3A : f32 to vector<16xf32>
      %sub3A_407 = arith.subf %convert_element_type3A_405, %sub3A_406 : vector<16xf32>
      %abs3A = math.absf %sub3A_407 : vector<16xf32>
      %sub3A_408 = arith.constant 1.000000e+00 : f32
      %sub3A_409 = vector.broadcast %sub3A_408 : f32 to vector<16xf32>
      %sub3A_410 = arith.subf %sub3A_409, %abs3A : vector<16xf32>
      %max3A = arith.constant 0.000000e+00 : f32
      %max3A_411 = vector.broadcast %max3A : f32 to vector<16xf32>
      %max3A_412 = arith.maximumf %sub3A_410, %max3A_411 : vector<16xf32>
      %sub3A_413 = arith.constant 1.000000e+00 : f32
      %sub3A_414 = vector.broadcast %sub3A_413 : f32 to vector<16xf32>
      %sub3A_415 = arith.subf %convert_element_type3A_405, %sub3A_414 : vector<16xf32>
      %abs3A_416 = math.absf %sub3A_415 : vector<16xf32>
      %sub3A_417 = arith.constant 1.000000e+00 : f32
      %sub3A_418 = vector.broadcast %sub3A_417 : f32 to vector<16xf32>
      %sub3A_419 = arith.subf %sub3A_418, %abs3A_416 : vector<16xf32>
      %max3A_420 = arith.constant 0.000000e+00 : f32
      %max3A_421 = vector.broadcast %max3A_420 : f32 to vector<16xf32>
      %max3A_422 = arith.maximumf %sub3A_419, %max3A_421 : vector<16xf32>
      %sub3A_423 = arith.constant 2.000000e+00 : f32
      %sub3A_424 = vector.broadcast %sub3A_423 : f32 to vector<16xf32>
      %sub3A_425 = arith.subf %convert_element_type3A_405, %sub3A_424 : vector<16xf32>
      %abs3A_426 = math.absf %sub3A_425 : vector<16xf32>
      %sub3A_427 = arith.constant 1.000000e+00 : f32
      %sub3A_428 = vector.broadcast %sub3A_427 : f32 to vector<16xf32>
      %sub3A_429 = arith.subf %sub3A_428, %abs3A_426 : vector<16xf32>
      %max3A_430 = arith.constant 0.000000e+00 : f32
      %max3A_431 = vector.broadcast %max3A_430 : f32 to vector<16xf32>
      %max3A_432 = arith.maximumf %sub3A_429, %max3A_431 : vector<16xf32>
      %sub3A_433 = arith.constant 3.000000e+00 : f32
      %sub3A_434 = vector.broadcast %sub3A_433 : f32 to vector<16xf32>
      %sub3A_435 = arith.subf %convert_element_type3A_405, %sub3A_434 : vector<16xf32>
      %abs3A_436 = math.absf %sub3A_435 : vector<16xf32>
      %sub3A_437 = arith.constant 1.000000e+00 : f32
      %sub3A_438 = vector.broadcast %sub3A_437 : f32 to vector<16xf32>
      %sub3A_439 = arith.subf %sub3A_438, %abs3A_436 : vector<16xf32>
      %max3A_440 = arith.constant 0.000000e+00 : f32
      %max3A_441 = vector.broadcast %max3A_440 : f32 to vector<16xf32>
      %max3A_442 = arith.maximumf %sub3A_439, %max3A_441 : vector<16xf32>
      %sub3A_443 = arith.constant 1.000000e+00 : f32
      %sub3A_444 = vector.broadcast %sub3A_443 : f32 to vector<16xf32>
      %sub3A_445 = arith.subf %sub3A_444, %max3A_412 : vector<16xf32>
      %swap3A_446 = arith.constant 0 : i32
      %swap3A_447 = arith.constant 0 : i32
      %swap3A_448 = arith.index_cast %swap3A_447 : i32 to index
      %swap3A_449 = memref.load %arg13[%swap3A_448] : memref<8xi32, #tpu.memory_space<smem>>
      memref.store %swap3A_446, %arg13[%swap3A_448] : memref<8xi32, #tpu.memory_space<smem>>
      %swap3A_450 = arith.constant 1 : i32
      %swap3A_451 = arith.constant 1 : i32
      %swap3A_452 = arith.index_cast %swap3A_451 : i32 to index
      %swap3A_453 = memref.load %arg13[%swap3A_452] : memref<8xi32, #tpu.memory_space<smem>>
      memref.store %swap3A_450, %arg13[%swap3A_452] : memref<8xi32, #tpu.memory_space<smem>>
      %scan3A = arith.constant 0 : i32
      %scan3A_454 = arith.constant 0 : i32
      %scan3A_455 = arith.constant 100 : i32
      %scan3A_456 = arith.addi %scan3A_454, %scan3A_455 : i32
      %scan3A_457 = arith.constant 1 : i32
      scf.for %scan3A_478 = %scan3A_454 to %scan3A_456 step %scan3A_457  : i32 {
        %get3A_479 = arith.constant 1 : i32
        %get3A_480 = arith.index_cast %get3A_479 : i32 to index
        %get3A_481 = memref.load %arg13[%get3A_480] : memref<8xi32, #tpu.memory_space<smem>>
        %eq3A = arith.constant 1 : i32
        %eq3A_482 = arith.cmpi eq, %get3A_481, %eq3A : i32
        %convert_element_type3A_483 = arith.extui %eq3A_482 : i1 to i32
        %cond3A_484 = arith.constant 0 : i32
        %cond3A_485 = arith.cmpi ne, %convert_element_type3A_483, %cond3A_484 : i32
        scf.if %cond3A_485 {
          %scan3A_486 = arith.constant 0 : i32
          %scan3A_487 = arith.constant 0 : i32
          %scan3A_488 = arith.constant 50 : i32
          %scan3A_489 = arith.addi %scan3A_487, %scan3A_488 : i32
          %scan3A_490 = arith.constant 1 : i32
          scf.for %scan3A_492 = %scan3A_487 to %scan3A_489 step %scan3A_490  : i32 {
            %mul3A_493 = arith.constant 50 : i32
            %mul3A_494 = arith.muli %scan3A_478, %mul3A_493 : i32
            %add3A_495 = arith.addi %mul3A_494, %scan3A_492 : i32
            %get3A_496 = arith.constant 1 : i32
            %get3A_497 = arith.index_cast %get3A_496 : i32 to index
            %get3A_498 = memref.load %arg13[%get3A_497] : memref<8xi32, #tpu.memory_space<smem>>
            %eq3A_499 = arith.constant 1 : i32
            %eq3A_500 = arith.cmpi eq, %get3A_498, %eq3A_499 : i32
            %convert_element_type3A_501 = arith.extui %eq3A_500 : i1 to i32
            %cond3A_502 = arith.constant 0 : i32
            %cond3A_503 = arith.cmpi ne, %convert_element_type3A_501, %cond3A_502 : i32
            scf.if %cond3A_503 {
              %get3A_504 = arith.index_cast %add3A_495 : i32 to index
              %get3A_505 = tpu.vector_load %arg6[%get3A_504] {strides = array<i32>} : memref<5120xi32, #tpu.memory_space<vmem>>, vector<16xi32>,
              %get3A_506 = vector.shape_cast %get3A_505 : vector<16xi32> to vector<16xi32>
              %slice3A_507 = vector.extract_strided_slice %get3A_506 {offsets = [0], sizes = [1], strides = [1]} : vector<16xi32> to vector<1xi32>
              %squeeze3A_508 = vector.extract %slice3A_507[0] : i32 from vector<1xi32>
              %mul3A_509 = arith.constant 8 : i32
              %mul3A_510 = arith.muli %squeeze3A_508, %mul3A_509 : i32
              %get3A_511 = arith.index_cast %mul3A_510 : i32 to index
              %get3A_512 = tpu.vector_load %arg5[%get3A_511] {strides = array<i32>} : memref<40064xf32, #tpu.memory_space<vmem>>, vector<16xf32>,
              %get3A_513 = vector.shape_cast %get3A_512 : vector<16xf32> to vector<16xf32>
              %slice3A_514 = vector.extract_strided_slice %get3A_513 {offsets = [0], sizes = [1], strides = [1]} : vector<16xf32> to vector<1xf32>
              %squeeze3A_515 = vector.extract %slice3A_514[0] : f32 from vector<1xf32>
              %slice3A_516 = vector.extract_strided_slice %get3A_513 {offsets = [1], sizes = [1], strides = [1]} : vector<16xf32> to vector<1xf32>
              %squeeze3A_517 = vector.extract %slice3A_516[0] : f32 from vector<1xf32>
              %slice3A_518 = vector.extract_strided_slice %get3A_513 {offsets = [2], sizes = [1], strides = [1]} : vector<16xf32> to vector<1xf32>
              %squeeze3A_519 = vector.extract %slice3A_518[0] : f32 from vector<1xf32>
              %slice3A_520 = vector.extract_strided_slice %get3A_513 {offsets = [3], sizes = [1], strides = [1]} : vector<16xf32> to vector<1xf32>
              %squeeze3A_521 = vector.extract %slice3A_520[0] : f32 from vector<1xf32>
              %slice3A_522 = vector.extract_strided_slice %get3A_513 {offsets = [4], sizes = [1], strides = [1]} : vector<16xf32> to vector<1xf32>
              %squeeze3A_523 = vector.extract %slice3A_522[0] : f32 from vector<1xf32>
              %sub3A_524 = arith.subf %squeeze3A_519, %squeeze3A_515 : f32
              %sub3A_525 = arith.subf %squeeze3A_521, %squeeze3A_517 : f32
              %gt3A = arith.constant 2.000000e-01 : f32
              %gt3A_526 = arith.cmpf ogt, %squeeze3A_523, %gt3A : f32
              %ge3A = arith.constant 8.000000e+00 : f32
              %ge3A_527 = arith.cmpf oge, %sub3A_524, %ge3A : f32
              %and3A = arith.andi %gt3A_526, %ge3A_527 : i1
              %ge3A_528 = arith.constant 8.000000e+00 : f32
              %ge3A_529 = arith.cmpf oge, %sub3A_525, %ge3A_528 : f32
              %and3A_530 = arith.andi %and3A, %ge3A_529 : i1
              %mul3A_531 = arith.mulf %sub3A_524, %sub3A_525 : f32
              %get3A_532 = arith.constant 0 : i32
              %get3A_533 = arith.index_cast %get3A_532 : i32 to index
              %get3A_534 = memref.load %arg13[%get3A_533] : memref<8xi32, #tpu.memory_space<smem>>
              %add3A_535 = arith.constant 15 : i32
              %add3A_536 = arith.addi %get3A_534, %add3A_535 : i32
              %jit3A = arith.constant 16 : i32
              %div3A = arith.divsi %add3A_536, %jit3A : i32
              %sign3A = arith.constant 0 : i32
              %sign3A_537 = arith.cmpi sgt, %add3A_536, %sign3A : i32
              %sign3A_538 = arith.extui %sign3A_537 : i1 to i32
              %sign3A_539 = arith.constant 0 : i32
              %sign3A_540 = arith.cmpi slt, %add3A_536, %sign3A_539 : i32
              %sign3A_541 = arith.extui %sign3A_540 : i1 to i32
              %sign3A_542 = arith.subi %sign3A_538, %sign3A_541 : i32
              %sign3A_543 = arith.constant 0 : i32
              %sign3A_544 = arith.cmpi sgt, %jit3A, %sign3A_543 : i32
              %sign3A_545 = arith.extui %sign3A_544 : i1 to i32
              %sign3A_546 = arith.constant 0 : i32
              %sign3A_547 = arith.cmpi slt, %jit3A, %sign3A_546 : i32
              %sign3A_548 = arith.extui %sign3A_547 : i1 to i32
              %sign3A_549 = arith.subi %sign3A_545, %sign3A_548 : i32
              %ne3A = arith.cmpi ne, %sign3A_542, %sign3A_549 : i32
              %rem3A = arith.remsi %add3A_536, %jit3A : i32
              %ne3A_550 = arith.constant 0 : i32
              %ne3A_551 = arith.cmpi ne, %rem3A, %ne3A_550 : i32
              %and3A_552 = arith.andi %ne3A, %ne3A_551 : i1
              %sub3A_553 = arith.constant 1 : i32
              %sub3A_554 = arith.subi %div3A, %sub3A_553 : i32
              %select_n3A = arith.select %and3A_552, %sub3A_554, %div3A : i32
              %broadcast_in_dim3A_555 = arith.constant -1.000000e+00 : f32
              %broadcast_in_dim3A_556 = vector.broadcast %broadcast_in_dim3A_555 : f32 to vector<16xf32>
              %while3A_557 = arith.constant 0 : i32
              %while3A_558 = arith.subi %select_n3A, %while3A_557 : i32
              %while3A_559 = arith.addi %while3A_557, %while3A_558 : i32
              %while3A_560 = arith.constant 1 : i32
              %while3A_561 = arith.divsi %while3A_558, %while3A_560 : i32
              %while3A_562 = arith.muli %while3A_561, %while3A_560 : i32
              %while3A_563 = arith.addi %while3A_557, %while3A_562 : i32
              %while3A_564 = arith.constant 1 : i32
              %while3A_565 = scf.for %while3A_797 = %while3A_557 to %while3A_563 step %while3A_564 iter_args(%while3A_798 = %broadcast_in_dim3A_556) -> (vector<16xf32>)  : i32 {
                %mul3A_799 = arith.constant 16 : i32
                %mul3A_800 = arith.muli %while3A_797, %mul3A_799 : i32
                %get3A_801 = arith.index_cast %mul3A_800 : i32 to index
                %get3A_802 = tpu.vector_load %arg7[%get3A_801] {strides = array<i32>} : memref<320xf32, #tpu.memory_space<vmem>>, vector<16xf32>,
                %get3A_803 = vector.shape_cast %get3A_802 : vector<16xf32> to vector<16xf32>
                %max3A_804 = vector.broadcast %squeeze3A_515 : f32 to vector<16xf32>
                %max3A_805 = arith.maximumf %get3A_803, %max3A_804 : vector<16xf32>
                %get3A_806 = arith.index_cast %mul3A_800 : i32 to index
                %get3A_807 = tpu.vector_load %arg8[%get3A_806] {strides = array<i32>} : memref<320xf32, #tpu.memory_space<vmem>>, vector<16xf32>,
                %get3A_808 = vector.shape_cast %get3A_807 : vector<16xf32> to vector<16xf32>
                %max3A_809 = vector.broadcast %squeeze3A_517 : f32 to vector<16xf32>
                %max3A_810 = arith.maximumf %get3A_808, %max3A_809 : vector<16xf32>
                %get3A_811 = arith.index_cast %mul3A_800 : i32 to index
                %get3A_812 = tpu.vector_load %arg9[%get3A_811] {strides = array<i32>} : memref<320xf32, #tpu.memory_space<vmem>>, vector<16xf32>,
                %get3A_813 = vector.shape_cast %get3A_812 : vector<16xf32> to vector<16xf32>
                %min3A = vector.broadcast %squeeze3A_519 : f32 to vector<16xf32>
                %min3A_814 = arith.minimumf %get3A_813, %min3A : vector<16xf32>
                %get3A_815 = arith.index_cast %mul3A_800 : i32 to index
                %get3A_816 = tpu.vector_load %arg10[%get3A_815] {strides = array<i32>} : memref<320xf32, #tpu.memory_space<vmem>>, vector<16xf32>,
                %get3A_817 = vector.shape_cast %get3A_816 : vector<16xf32> to vector<16xf32>
                %min3A_818 = vector.broadcast %squeeze3A_521 : f32 to vector<16xf32>
                %min3A_819 = arith.minimumf %get3A_817, %min3A_818 : vector<16xf32>
                %sub3A_820 = arith.subf %min3A_814, %max3A_805 : vector<16xf32>
                %max3A_821 = arith.constant 0.000000e+00 : f32
                %max3A_822 = vector.broadcast %max3A_821 : f32 to vector<16xf32>
                %max3A_823 = arith.maximumf %sub3A_820, %max3A_822 : vector<16xf32>
                %sub3A_824 = arith.subf %min3A_819, %max3A_810 : vector<16xf32>
                %max3A_825 = arith.constant 0.000000e+00 : f32
                %max3A_826 = vector.broadcast %max3A_825 : f32 to vector<16xf32>
                %max3A_827 = arith.maximumf %sub3A_824, %max3A_826 : vector<16xf32>
                %mul3A_828 = arith.mulf %max3A_823, %max3A_827 : vector<16xf32>
                %get3A_829 = arith.index_cast %mul3A_800 : i32 to index
                %get3A_830 = tpu.vector_load %arg11[%get3A_829] {strides = array<i32>} : memref<320xf32, #tpu.memory_space<vmem>>, vector<16xf32>,
                %get3A_831 = vector.shape_cast %get3A_830 : vector<16xf32> to vector<16xf32>
                %add3A_832 = vector.broadcast %mul3A_531 : f32 to vector<16xf32>
                %add3A_833 = arith.addf %add3A_832, %get3A_831 : vector<16xf32>
                %sub3A_834 = arith.subf %add3A_833, %mul3A_828 : vector<16xf32>
                %mul3A_835 = arith.constant 6.000000e-01 : f32
                %mul3A_836 = vector.broadcast %mul3A_835 : f32 to vector<16xf32>
                %mul3A_837 = arith.mulf %mul3A_836, %sub3A_834 : vector<16xf32>
                %sub3A_838 = arith.subf %mul3A_828, %mul3A_837 : vector<16xf32>
                %max3A_839 = arith.maximumf %while3A_798, %sub3A_838 : vector<16xf32>
                scf.yield %max3A_839 : vector<16xf32>
              }
              %while3A_566 = arith.constant 1 : i32
              %while3A_567 = scf.for %while3A_797 = %while3A_563 to %while3A_559 step %while3A_566 iter_args(%while3A_798 = %while3A_565) -> (vector<16xf32>)  : i32 {
                %mul3A_799 = arith.constant 16 : i32
                %mul3A_800 = arith.muli %while3A_797, %mul3A_799 : i32
                %get3A_801 = arith.index_cast %mul3A_800 : i32 to index
                %get3A_802 = tpu.vector_load %arg7[%get3A_801] {strides = array<i32>} : memref<320xf32, #tpu.memory_space<vmem>>, vector<16xf32>,
                %get3A_803 = vector.shape_cast %get3A_802 : vector<16xf32> to vector<16xf32>
                %max3A_804 = vector.broadcast %squeeze3A_515 : f32 to vector<16xf32>
                %max3A_805 = arith.maximumf %get3A_803, %max3A_804 : vector<16xf32>
                %get3A_806 = arith.index_cast %mul3A_800 : i32 to index
                %get3A_807 = tpu.vector_load %arg8[%get3A_806] {strides = array<i32>} : memref<320xf32, #tpu.memory_space<vmem>>, vector<16xf32>,
                %get3A_808 = vector.shape_cast %get3A_807 : vector<16xf32> to vector<16xf32>
                %max3A_809 = vector.broadcast %squeeze3A_517 : f32 to vector<16xf32>
                %max3A_810 = arith.maximumf %get3A_808, %max3A_809 : vector<16xf32>
                %get3A_811 = arith.index_cast %mul3A_800 : i32 to index
                %get3A_812 = tpu.vector_load %arg9[%get3A_811] {strides = array<i32>} : memref<320xf32, #tpu.memory_space<vmem>>, vector<16xf32>,
                %get3A_813 = vector.shape_cast %get3A_812 : vector<16xf32> to vector<16xf32>
                %min3A = vector.broadcast %squeeze3A_519 : f32 to vector<16xf32>
                %min3A_814 = arith.minimumf %get3A_813, %min3A : vector<16xf32>
                %get3A_815 = arith.index_cast %mul3A_800 : i32 to index
                %get3A_816 = tpu.vector_load %arg10[%get3A_815] {strides = array<i32>} : memref<320xf32, #tpu.memory_space<vmem>>, vector<16xf32>,
                %get3A_817 = vector.shape_cast %get3A_816 : vector<16xf32> to vector<16xf32>
                %min3A_818 = vector.broadcast %squeeze3A_521 : f32 to vector<16xf32>
                %min3A_819 = arith.minimumf %get3A_817, %min3A_818 : vector<16xf32>
                %sub3A_820 = arith.subf %min3A_814, %max3A_805 : vector<16xf32>
                %max3A_821 = arith.constant 0.000000e+00 : f32
                %max3A_822 = vector.broadcast %max3A_821 : f32 to vector<16xf32>
                %max3A_823 = arith.maximumf %sub3A_820, %max3A_822 : vector<16xf32>
                %sub3A_824 = arith.subf %min3A_819, %max3A_810 : vector<16xf32>
                %max3A_825 = arith.constant 0.000000e+00 : f32
                %max3A_826 = vector.broadcast %max3A_825 : f32 to vector<16xf32>
                %max3A_827 = arith.maximumf %sub3A_824, %max3A_826 : vector<16xf32>
                %mul3A_828 = arith.mulf %max3A_823, %max3A_827 : vector<16xf32>
                %get3A_829 = arith.index_cast %mul3A_800 : i32 to index
                %get3A_830 = tpu.vector_load %arg11[%get3A_829] {strides = array<i32>} : memref<320xf32, #tpu.memory_space<vmem>>, vector<16xf32>,
                %get3A_831 = vector.shape_cast %get3A_830 : vector<16xf32> to vector<16xf32>
                %add3A_832 = vector.broadcast %mul3A_531 : f32 to vector<16xf32>
                %add3A_833 = arith.addf %add3A_832, %get3A_831 : vector<16xf32>
                %sub3A_834 = arith.subf %add3A_833, %mul3A_828 : vector<16xf32>
                %mul3A_835 = arith.constant 6.000000e-01 : f32
                %mul3A_836 = vector.broadcast %mul3A_835 : f32 to vector<16xf32>
                %mul3A_837 = arith.mulf %mul3A_836, %sub3A_834 : vector<16xf32>
                %sub3A_838 = arith.subf %mul3A_828, %mul3A_837 : vector<16xf32>
                %max3A_839 = arith.maximumf %while3A_798, %sub3A_838 : vector<16xf32>
                scf.yield %max3A_839 : vector<16xf32>
              }
              %add3A_568 = arith.constant 8 : i32
              %add3A_569 = vector.broadcast %add3A_568 : i32 to vector<16xi32>
              %add3A_570 = arith.addi %iota3A, %add3A_569 : vector<16xi32>
              %jit3A_571 = arith.constant 16 : i32
              %eq3A_572 = arith.constant 0 : i32
              %eq3A_573 = arith.cmpi eq, %jit3A_571, %eq3A_572 : i32
              %jit3A_574 = arith.constant 1 : i32
              %select_n3A_575 = arith.select %eq3A_573, %jit3A_574, %jit3A_571 : i32
              %rem3A_576 = vector.broadcast %select_n3A_575 : i32 to vector<16xi32>
              %rem3A_577 = arith.remsi %add3A_570, %rem3A_576 : vector<16xi32>
              %ne3A_578 = arith.constant 0 : i32
              %ne3A_579 = vector.broadcast %ne3A_578 : i32 to vector<16xi32>
              %ne3A_580 = arith.cmpi ne, %rem3A_577, %ne3A_579 : vector<16xi32>
              %lt3A_581 = arith.constant 0 : i32
              %lt3A_582 = vector.broadcast %lt3A_581 : i32 to vector<16xi32>
              %lt3A_583 = arith.cmpi slt, %rem3A_577, %lt3A_582 : vector<16xi32>
              %lt3A_584 = arith.constant 0 : i32
              %lt3A_585 = arith.cmpi slt, %select_n3A_575, %lt3A_584 : i32
              %ne3A_586 = vector.broadcast %lt3A_585 : i1 to vector<16xi1>
              %ne3A_587 = vector.broadcast %ne3A_586 : vector<16xi1> to vector<16xi1>
              %ne3A_588 = arith.xori %lt3A_583, %ne3A_587 : vector<16xi1>
              %and3A_589 = arith.andi %ne3A_588, %ne3A_580 : vector<16xi1>
              %add3A_590 = vector.broadcast %select_n3A_575 : i32 to vector<16xi32>
              %add3A_591 = arith.addi %rem3A_577, %add3A_590 : vector<16xi32>
              %select_n3A_592 = arith.select %and3A_589, %add3A_591, %rem3A_577 : vector<16xi1>, vector<16xi32>
              %lt3A_593 = arith.constant 0 : i32
              %lt3A_594 = vector.broadcast %lt3A_593 : i32 to vector<16xi32>
              %lt3A_595 = arith.cmpi slt, %select_n3A_592, %lt3A_594 : vector<16xi32>
              %add3A_596 = arith.constant 16 : i32
              %add3A_597 = vector.broadcast %add3A_596 : i32 to vector<16xi32>
              %add3A_598 = arith.addi %select_n3A_592, %add3A_597 : vector<16xi32>
              %select_n3A_599 = arith.select %lt3A_595, %add3A_598, %select_n3A_592 : vector<16xi1>, vector<16xi32>
              %broadcast_in_dim3A_600 = vector.shape_cast %select_n3A_599 : vector<16xi32> to vector<16x1xi32>
              %gather3A = vector.shape_cast %broadcast_in_dim3A_600 : vector<16x1xi32> to vector<16xi32>
              %gather3A_601 = tpu.dynamic_gather %while3A_567[%gather3A] in [0] : vector<16xf32>, vector<16xi32> -> vector<16xf32>
              %max3A_602 = arith.maximumf %while3A_567, %gather3A_601 : vector<16xf32>
              %add3A_603 = arith.constant 4 : i32
              %add3A_604 = vector.broadcast %add3A_603 : i32 to vector<16xi32>
              %add3A_605 = arith.addi %iota3A, %add3A_604 : vector<16xi32>
              %jit3A_606 = arith.constant 16 : i32
              %eq3A_607 = arith.constant 0 : i32
              %eq3A_608 = arith.cmpi eq, %jit3A_606, %eq3A_607 : i32
              %jit3A_609 = arith.constant 1 : i32
              %select_n3A_610 = arith.select %eq3A_608, %jit3A_609, %jit3A_606 : i32
              %rem3A_611 = vector.broadcast %select_n3A_610 : i32 to vector<16xi32>
              %rem3A_612 = arith.remsi %add3A_605, %rem3A_611 : vector<16xi32>
              %ne3A_613 = arith.constant 0 : i32
              %ne3A_614 = vector.broadcast %ne3A_613 : i32 to vector<16xi32>
              %ne3A_615 = arith.cmpi ne, %rem3A_612, %ne3A_614 : vector<16xi32>
              %lt3A_616 = arith.constant 0 : i32
              %lt3A_617 = vector.broadcast %lt3A_616 : i32 to vector<16xi32>
              %lt3A_618 = arith.cmpi slt, %rem3A_612, %lt3A_617 : vector<16xi32>
              %lt3A_619 = arith.constant 0 : i32
              %lt3A_620 = arith.cmpi slt, %select_n3A_610, %lt3A_619 : i32
              %ne3A_621 = vector.broadcast %lt3A_620 : i1 to vector<16xi1>
              %ne3A_622 = vector.broadcast %ne3A_621 : vector<16xi1> to vector<16xi1>
              %ne3A_623 = arith.xori %lt3A_618, %ne3A_622 : vector<16xi1>
              %and3A_624 = arith.andi %ne3A_623, %ne3A_615 : vector<16xi1>
              %add3A_625 = vector.broadcast %select_n3A_610 : i32 to vector<16xi32>
              %add3A_626 = arith.addi %rem3A_612, %add3A_625 : vector<16xi32>
              %select_n3A_627 = arith.select %and3A_624, %add3A_626, %rem3A_612 : vector<16xi1>, vector<16xi32>
              %lt3A_628 = arith.constant 0 : i32
              %lt3A_629 = vector.broadcast %lt3A_628 : i32 to vector<16xi32>
              %lt3A_630 = arith.cmpi slt, %select_n3A_627, %lt3A_629 : vector<16xi32>
              %add3A_631 = arith.constant 16 : i32
              %add3A_632 = vector.broadcast %add3A_631 : i32 to vector<16xi32>
              %add3A_633 = arith.addi %select_n3A_627, %add3A_632 : vector<16xi32>
              %select_n3A_634 = arith.select %lt3A_630, %add3A_633, %select_n3A_627 : vector<16xi1>, vector<16xi32>
              %broadcast_in_dim3A_635 = vector.shape_cast %select_n3A_634 : vector<16xi32> to vector<16x1xi32>
              %gather3A_636 = vector.shape_cast %broadcast_in_dim3A_635 : vector<16x1xi32> to vector<16xi32>
              %gather3A_637 = tpu.dynamic_gather %max3A_602[%gather3A_636] in [0] : vector<16xf32>, vector<16xi32> -> vector<16xf32>
              %max3A_638 = arith.maximumf %max3A_602, %gather3A_637 : vector<16xf32>
              %add3A_639 = arith.constant 2 : i32
              %add3A_640 = vector.broadcast %add3A_639 : i32 to vector<16xi32>
              %add3A_641 = arith.addi %iota3A, %add3A_640 : vector<16xi32>
              %jit3A_642 = arith.constant 16 : i32
              %eq3A_643 = arith.constant 0 : i32
              %eq3A_644 = arith.cmpi eq, %jit3A_642, %eq3A_643 : i32
              %jit3A_645 = arith.constant 1 : i32
              %select_n3A_646 = arith.select %eq3A_644, %jit3A_645, %jit3A_642 : i32
              %rem3A_647 = vector.broadcast %select_n3A_646 : i32 to vector<16xi32>
              %rem3A_648 = arith.remsi %add3A_641, %rem3A_647 : vector<16xi32>
              %ne3A_649 = arith.constant 0 : i32
              %ne3A_650 = vector.broadcast %ne3A_649 : i32 to vector<16xi32>
              %ne3A_651 = arith.cmpi ne, %rem3A_648, %ne3A_650 : vector<16xi32>
              %lt3A_652 = arith.constant 0 : i32
              %lt3A_653 = vector.broadcast %lt3A_652 : i32 to vector<16xi32>
              %lt3A_654 = arith.cmpi slt, %rem3A_648, %lt3A_653 : vector<16xi32>
              %lt3A_655 = arith.constant 0 : i32
              %lt3A_656 = arith.cmpi slt, %select_n3A_646, %lt3A_655 : i32
              %ne3A_657 = vector.broadcast %lt3A_656 : i1 to vector<16xi1>
              %ne3A_658 = vector.broadcast %ne3A_657 : vector<16xi1> to vector<16xi1>
              %ne3A_659 = arith.xori %lt3A_654, %ne3A_658 : vector<16xi1>
              %and3A_660 = arith.andi %ne3A_659, %ne3A_651 : vector<16xi1>
              %add3A_661 = vector.broadcast %select_n3A_646 : i32 to vector<16xi32>
              %add3A_662 = arith.addi %rem3A_648, %add3A_661 : vector<16xi32>
              %select_n3A_663 = arith.select %and3A_660, %add3A_662, %rem3A_648 : vector<16xi1>, vector<16xi32>
              %lt3A_664 = arith.constant 0 : i32
              %lt3A_665 = vector.broadcast %lt3A_664 : i32 to vector<16xi32>
              %lt3A_666 = arith.cmpi slt, %select_n3A_663, %lt3A_665 : vector<16xi32>
              %add3A_667 = arith.constant 16 : i32
              %add3A_668 = vector.broadcast %add3A_667 : i32 to vector<16xi32>
              %add3A_669 = arith.addi %select_n3A_663, %add3A_668 : vector<16xi32>
              %select_n3A_670 = arith.select %lt3A_666, %add3A_669, %select_n3A_663 : vector<16xi1>, vector<16xi32>
              %broadcast_in_dim3A_671 = vector.shape_cast %select_n3A_670 : vector<16xi32> to vector<16x1xi32>
              %gather3A_672 = vector.shape_cast %broadcast_in_dim3A_671 : vector<16x1xi32> to vector<16xi32>
              %gather3A_673 = tpu.dynamic_gather %max3A_638[%gather3A_672] in [0] : vector<16xf32>, vector<16xi32> -> vector<16xf32>
              %max3A_674 = arith.maximumf %max3A_638, %gather3A_673 : vector<16xf32>
              %add3A_675 = arith.constant 1 : i32
              %add3A_676 = vector.broadcast %add3A_675 : i32 to vector<16xi32>
              %add3A_677 = arith.addi %iota3A, %add3A_676 : vector<16xi32>
              %jit3A_678 = arith.constant 16 : i32
              %eq3A_679 = arith.constant 0 : i32
              %eq3A_680 = arith.cmpi eq, %jit3A_678, %eq3A_679 : i32
              %jit3A_681 = arith.constant 1 : i32
              %select_n3A_682 = arith.select %eq3A_680, %jit3A_681, %jit3A_678 : i32
              %rem3A_683 = vector.broadcast %select_n3A_682 : i32 to vector<16xi32>
              %rem3A_684 = arith.remsi %add3A_677, %rem3A_683 : vector<16xi32>
              %ne3A_685 = arith.constant 0 : i32
              %ne3A_686 = vector.broadcast %ne3A_685 : i32 to vector<16xi32>
              %ne3A_687 = arith.cmpi ne, %rem3A_684, %ne3A_686 : vector<16xi32>
              %lt3A_688 = arith.constant 0 : i32
              %lt3A_689 = vector.broadcast %lt3A_688 : i32 to vector<16xi32>
              %lt3A_690 = arith.cmpi slt, %rem3A_684, %lt3A_689 : vector<16xi32>
              %lt3A_691 = arith.constant 0 : i32
              %lt3A_692 = arith.cmpi slt, %select_n3A_682, %lt3A_691 : i32
              %ne3A_693 = vector.broadcast %lt3A_692 : i1 to vector<16xi1>
              %ne3A_694 = vector.broadcast %ne3A_693 : vector<16xi1> to vector<16xi1>
              %ne3A_695 = arith.xori %lt3A_690, %ne3A_694 : vector<16xi1>
              %and3A_696 = arith.andi %ne3A_695, %ne3A_687 : vector<16xi1>
              %add3A_697 = vector.broadcast %select_n3A_682 : i32 to vector<16xi32>
              %add3A_698 = arith.addi %rem3A_684, %add3A_697 : vector<16xi32>
              %select_n3A_699 = arith.select %and3A_696, %add3A_698, %rem3A_684 : vector<16xi1>, vector<16xi32>
              %lt3A_700 = arith.constant 0 : i32
              %lt3A_701 = vector.broadcast %lt3A_700 : i32 to vector<16xi32>
              %lt3A_702 = arith.cmpi slt, %select_n3A_699, %lt3A_701 : vector<16xi32>
              %add3A_703 = arith.constant 16 : i32
              %add3A_704 = vector.broadcast %add3A_703 : i32 to vector<16xi32>
              %add3A_705 = arith.addi %select_n3A_699, %add3A_704 : vector<16xi32>
              %select_n3A_706 = arith.select %lt3A_702, %add3A_705, %select_n3A_699 : vector<16xi1>, vector<16xi32>
              %broadcast_in_dim3A_707 = vector.shape_cast %select_n3A_706 : vector<16xi32> to vector<16x1xi32>
              %gather3A_708 = vector.shape_cast %broadcast_in_dim3A_707 : vector<16x1xi32> to vector<16xi32>
              %gather3A_709 = tpu.dynamic_gather %max3A_674[%gather3A_708] in [0] : vector<16xf32>, vector<16xi32> -> vector<16xf32>
              %max3A_710 = arith.maximumf %max3A_674, %gather3A_709 : vector<16xf32>
              %slice3A_711 = vector.extract_strided_slice %max3A_710 {offsets = [0], sizes = [1], strides = [1]} : vector<16xf32> to vector<1xf32>
              %squeeze3A_712 = vector.extract %slice3A_711[0] : f32 from vector<1xf32>
              %lt3A_713 = arith.constant 0.000000e+00 : f32
              %lt3A_714 = arith.cmpf olt, %squeeze3A_712, %lt3A_713 : f32
              %and3A_715 = arith.andi %and3A_530, %lt3A_714 : i1
              %jit3A_716 = arith.constant 2.000000e+09 : f32
              %select_n3A_717 = arith.select %and3A_715, %squeeze3A_515, %jit3A_716 : f32
              %jit3A_718 = arith.constant 0.000000e+00 : f32
              %select_n3A_719 = arith.select %and3A_715, %squeeze3A_517, %jit3A_718 : f32
              %jit3A_720 = arith.constant 2.000000e+09 : f32
              %select_n3A_721 = arith.select %and3A_715, %squeeze3A_519, %jit3A_720 : f32
              %jit3A_722 = arith.constant 0.000000e+00 : f32
              %select_n3A_723 = arith.select %and3A_715, %squeeze3A_521, %jit3A_722 : f32
              %jit3A_724 = arith.constant 0.000000e+00 : f32
              %select_n3A_725 = arith.select %and3A_715, %mul3A_531, %jit3A_724 : f32
              %mul3A_726 = vector.broadcast %select_n3A_717 : f32 to vector<16xf32>
              %mul3A_727 = arith.mulf %mul3A_726, %max3A_412 : vector<16xf32>
              %mul3A_728 = arith.constant 2.000000e+09 : f32
              %mul3A_729 = vector.broadcast %mul3A_728 : f32 to vector<16xf32>
              %mul3A_730 = arith.mulf %mul3A_729, %sub3A_445 : vector<16xf32>
              %add3A_731 = arith.addf %mul3A_727, %mul3A_730 : vector<16xf32>
              %swap3A_732 = arith.index_cast %get3A_534 : i32 to index
              %swap3A_733 = tpu.vector_load %arg7[%swap3A_732] {strides = array<i32>} : memref<320xf32, #tpu.memory_space<vmem>>, vector<16xf32>,
              %swap3A_734 = vector.shape_cast %swap3A_733 : vector<16xf32> to vector<16xf32>
              %swap3A_735 = vector.shape_cast %add3A_731 : vector<16xf32> to vector<16xf32>
              tpu.vector_store %arg7[%swap3A_732], %swap3A_735 {strides = array<i32>} : memref<320xf32, #tpu.memory_space<vmem>>, vector<16xf32>,
              %mul3A_736 = vector.broadcast %select_n3A_719 : f32 to vector<16xf32>
              %mul3A_737 = arith.mulf %mul3A_736, %max3A_412 : vector<16xf32>
              %swap3A_738 = arith.index_cast %get3A_534 : i32 to index
              %swap3A_739 = tpu.vector_load %arg8[%swap3A_738] {strides = array<i32>} : memref<320xf32, #tpu.memory_space<vmem>>, vector<16xf32>,
              %swap3A_740 = vector.shape_cast %swap3A_739 : vector<16xf32> to vector<16xf32>
              %swap3A_741 = vector.shape_cast %mul3A_737 : vector<16xf32> to vector<16xf32>
              tpu.vector_store %arg8[%swap3A_738], %swap3A_741 {strides = array<i32>} : memref<320xf32, #tpu.memory_space<vmem>>, vector<16xf32>,
              %mul3A_742 = vector.broadcast %select_n3A_721 : f32 to vector<16xf32>
              %mul3A_743 = arith.mulf %mul3A_742, %max3A_412 : vector<16xf32>
              %mul3A_744 = arith.constant 2.000000e+09 : f32
              %mul3A_745 = vector.broadcast %mul3A_744 : f32 to vector<16xf32>
              %mul3A_746 = arith.mulf %mul3A_745, %sub3A_445 : vector<16xf32>
              %add3A_747 = arith.addf %mul3A_743, %mul3A_746 : vector<16xf32>
              %swap3A_748 = arith.index_cast %get3A_534 : i32 to index
              %swap3A_749 = tpu.vector_load %arg9[%swap3A_748] {strides = array<i32>} : memref<320xf32, #tpu.memory_space<vmem>>, vector<16xf32>,
              %swap3A_750 = vector.shape_cast %swap3A_749 : vector<16xf32> to vector<16xf32>
              %swap3A_751 = vector.shape_cast %add3A_747 : vector<16xf32> to vector<16xf32>
              tpu.vector_store %arg9[%swap3A_748], %swap3A_751 {strides = array<i32>} : memref<320xf32, #tpu.memory_space<vmem>>, vector<16xf32>,
              %mul3A_752 = vector.broadcast %select_n3A_723 : f32 to vector<16xf32>
              %mul3A_753 = arith.mulf %mul3A_752, %max3A_412 : vector<16xf32>
              %swap3A_754 = arith.index_cast %get3A_534 : i32 to index
              %swap3A_755 = tpu.vector_load %arg10[%swap3A_754] {strides = array<i32>} : memref<320xf32, #tpu.memory_space<vmem>>, vector<16xf32>,
              %swap3A_756 = vector.shape_cast %swap3A_755 : vector<16xf32> to vector<16xf32>
              %swap3A_757 = vector.shape_cast %mul3A_753 : vector<16xf32> to vector<16xf32>
              tpu.vector_store %arg10[%swap3A_754], %swap3A_757 {strides = array<i32>} : memref<320xf32, #tpu.memory_space<vmem>>, vector<16xf32>,
              %mul3A_758 = vector.broadcast %select_n3A_725 : f32 to vector<16xf32>
              %mul3A_759 = arith.mulf %mul3A_758, %max3A_412 : vector<16xf32>
              %swap3A_760 = arith.index_cast %get3A_534 : i32 to index
              %swap3A_761 = tpu.vector_load %arg11[%swap3A_760] {strides = array<i32>} : memref<320xf32, #tpu.memory_space<vmem>>, vector<16xf32>,
              %swap3A_762 = vector.shape_cast %swap3A_761 : vector<16xf32> to vector<16xf32>
              %swap3A_763 = vector.shape_cast %mul3A_759 : vector<16xf32> to vector<16xf32>
              tpu.vector_store %arg11[%swap3A_760], %swap3A_763 {strides = array<i32>} : memref<320xf32, #tpu.memory_space<vmem>>, vector<16xf32>,
              %mul3A_764 = vector.broadcast %squeeze3A_515 : f32 to vector<16xf32>
              %mul3A_765 = arith.mulf %mul3A_764, %max3A_412 : vector<16xf32>
              %mul3A_766 = vector.broadcast %squeeze3A_517 : f32 to vector<16xf32>
              %mul3A_767 = arith.mulf %mul3A_766, %max3A_422 : vector<16xf32>
              %add3A_768 = arith.addf %mul3A_765, %mul3A_767 : vector<16xf32>
              %mul3A_769 = vector.broadcast %squeeze3A_519 : f32 to vector<16xf32>
              %mul3A_770 = arith.mulf %mul3A_769, %max3A_432 : vector<16xf32>
              %add3A_771 = arith.addf %add3A_768, %mul3A_770 : vector<16xf32>
              %mul3A_772 = vector.broadcast %squeeze3A_521 : f32 to vector<16xf32>
              %mul3A_773 = arith.mulf %mul3A_772, %max3A_442 : vector<16xf32>
              %add3A_774 = arith.addf %add3A_771, %mul3A_773 : vector<16xf32>
              %mul3A_775 = arith.constant 4 : i32
              %mul3A_776 = arith.muli %get3A_534, %mul3A_775 : i32
              %swap3A_777 = arith.index_cast %mul3A_776 : i32 to index
              %swap3A_778 = tpu.vector_load %arg12[%swap3A_777] {strides = array<i32>} : memref<1280xf32, #tpu.memory_space<vmem>>, vector<16xf32>,
              %swap3A_779 = vector.shape_cast %swap3A_778 : vector<16xf32> to vector<16xf32>
              %swap3A_780 = vector.shape_cast %add3A_774 : vector<16xf32> to vector<16xf32>
              tpu.vector_store %arg12[%swap3A_777], %swap3A_780 {strides = array<i32>} : memref<1280xf32, #tpu.memory_space<vmem>>, vector<16xf32>,
              %jit3A_781 = arith.constant 1 : i32
              %jit3A_782 = arith.constant 0 : i32
              %select_n3A_783 = arith.select %and3A_715, %jit3A_781, %jit3A_782 : i32
              %add3A_784 = arith.addi %get3A_534, %select_n3A_783 : i32
              %swap3A_785 = arith.constant 0 : i32
              %swap3A_786 = arith.index_cast %swap3A_785 : i32 to index
              %swap3A_787 = memref.load %arg13[%swap3A_786] : memref<8xi32, #tpu.memory_space<smem>>
              memref.store %add3A_784, %arg13[%swap3A_786] : memref<8xi32, #tpu.memory_space<smem>>
              %lt3A_788 = arith.constant 300 : i32
              %lt3A_789 = arith.cmpi slt, %add3A_784, %lt3A_788 : i32
              %and3A_790 = arith.andi %and3A_530, %lt3A_789 : i1
              %jit3A_791 = arith.constant 1 : i32
              %jit3A_792 = arith.constant 0 : i32
              %select_n3A_793 = arith.select %and3A_790, %jit3A_791, %jit3A_792 : i32
              %swap3A_794 = arith.constant 1 : i32
              %swap3A_795 = arith.index_cast %swap3A_794 : i32 to index
              %swap3A_796 = memref.load %arg13[%swap3A_795] : memref<8xi32, #tpu.memory_space<smem>>
              memref.store %select_n3A_793, %arg13[%swap3A_795] : memref<8xi32, #tpu.memory_space<smem>>
            } else {
            }
          }
          %scan3A_491 = arith.constant 50 : i32
        } else {
        }
      }
      %scan3A_458 = arith.constant 100 : i32
      %get3A = arith.constant 0 : i32
      %get3A_459 = arith.index_cast %get3A : i32 to index
      %get3A_460 = memref.load %arg13[%get3A_459] : memref<8xi32, #tpu.memory_space<smem>>
      %get3A_461 = arith.constant 4999 : index
      %get3A_462 = tpu.vector_load %arg6[%get3A_461] {strides = array<i32>} : memref<5120xi32, #tpu.memory_space<vmem>>, vector<16xi32>,
      %get3A_463 = vector.shape_cast %get3A_462 : vector<16xi32> to vector<16xi32>
      %slice3A = vector.extract_strided_slice %get3A_463 {offsets = [0], sizes = [1], strides = [1]} : vector<16xi32> to vector<1xi32>
      %squeeze3A = vector.extract %slice3A[0] : i32 from vector<1xi32>
      %mul3A_464 = arith.constant 8 : i32
      %mul3A_465 = arith.muli %squeeze3A, %mul3A_464 : i32
      %get3A_466 = arith.index_cast %mul3A_465 : i32 to index
      %get3A_467 = tpu.vector_load %arg5[%get3A_466] {strides = array<i32>} : memref<40064xf32, #tpu.memory_space<vmem>>, vector<16xf32>,
      %get3A_468 = vector.shape_cast %get3A_467 : vector<16xf32> to vector<16xf32>
      %while3A = arith.constant 0 : i32
      %while3A_469 = arith.constant 300 : i32
      %while3A_470 = arith.subi %while3A_469, %get3A_460 : i32
      %while3A_471 = arith.addi %get3A_460, %while3A_470 : i32
      %while3A_472 = arith.constant 1 : i32
      %while3A_473 = arith.divsi %while3A_470, %while3A_472 : i32
      %while3A_474 = arith.muli %while3A_473, %while3A_472 : i32
      %while3A_475 = arith.addi %get3A_460, %while3A_474 : i32
      %while3A_476 = arith.constant 1 : i32
      scf.for %while3A_478 = %get3A_460 to %while3A_475 step %while3A_476  : i32 {
        %slice3A_479 = vector.extract_strided_slice %get3A_468 {offsets = [0], sizes = [1], strides = [1]} : vector<16xf32> to vector<1xf32>
        %squeeze3A_480 = vector.extract %slice3A_479[0] : f32 from vector<1xf32>
        %slice3A_481 = vector.extract_strided_slice %get3A_468 {offsets = [1], sizes = [1], strides = [1]} : vector<16xf32> to vector<1xf32>
        %squeeze3A_482 = vector.extract %slice3A_481[0] : f32 from vector<1xf32>
        %slice3A_483 = vector.extract_strided_slice %get3A_468 {offsets = [2], sizes = [1], strides = [1]} : vector<16xf32> to vector<1xf32>
        %squeeze3A_484 = vector.extract %slice3A_483[0] : f32 from vector<1xf32>
        %slice3A_485 = vector.extract_strided_slice %get3A_468 {offsets = [3], sizes = [1], strides = [1]} : vector<16xf32> to vector<1xf32>
        %squeeze3A_486 = vector.extract %slice3A_485[0] : f32 from vector<1xf32>
        %mul3A_487 = vector.broadcast %squeeze3A_480 : f32 to vector<16xf32>
        %mul3A_488 = arith.mulf %mul3A_487, %max3A_412 : vector<16xf32>
        %mul3A_489 = vector.broadcast %squeeze3A_482 : f32 to vector<16xf32>
        %mul3A_490 = arith.mulf %mul3A_489, %max3A_422 : vector<16xf32>
        %add3A_491 = arith.addf %mul3A_488, %mul3A_490 : vector<16xf32>
        %mul3A_492 = vector.broadcast %squeeze3A_484 : f32 to vector<16xf32>
        %mul3A_493 = arith.mulf %mul3A_492, %max3A_432 : vector<16xf32>
        %add3A_494 = arith.addf %add3A_491, %mul3A_493 : vector<16xf32>
        %mul3A_495 = vector.broadcast %squeeze3A_486 : f32 to vector<16xf32>
        %mul3A_496 = arith.mulf %mul3A_495, %max3A_442 : vector<16xf32>
        %add3A_497 = arith.addf %add3A_494, %mul3A_496 : vector<16xf32>
        %mul3A_498 = arith.constant 4 : i32
        %mul3A_499 = arith.muli %while3A_478, %mul3A_498 : i32
        %swap3A_500 = arith.index_cast %mul3A_499 : i32 to index
        %swap3A_501 = tpu.vector_load %arg12[%swap3A_500] {strides = array<i32>} : memref<1280xf32, #tpu.memory_space<vmem>>, vector<16xf32>,
        %swap3A_502 = vector.shape_cast %swap3A_501 : vector<16xf32> to vector<16xf32>
        %swap3A_503 = vector.shape_cast %add3A_497 : vector<16xf32> to vector<16xf32>
        tpu.vector_store %arg12[%swap3A_500], %swap3A_503 {strides = array<i32>} : memref<1280xf32, #tpu.memory_space<vmem>>, vector<16xf32>,
      }
      %while3A_477 = arith.constant 1 : i32
      scf.for %while3A_478 = %while3A_475 to %while3A_471 step %while3A_477  : i32 {
        %slice3A_479 = vector.extract_strided_slice %get3A_468 {offsets = [0], sizes = [1], strides = [1]} : vector<16xf32> to vector<1xf32>
        %squeeze3A_480 = vector.extract %slice3A_479[0] : f32 from vector<1xf32>
        %slice3A_481 = vector.extract_strided_slice %get3A_468 {offsets = [1], sizes = [1], strides = [1]} : vector<16xf32> to vector<1xf32>
        %squeeze3A_482 = vector.extract %slice3A_481[0] : f32 from vector<1xf32>
        %slice3A_483 = vector.extract_strided_slice %get3A_468 {offsets = [2], sizes = [1], strides = [1]} : vector<16xf32> to vector<1xf32>
        %squeeze3A_484 = vector.extract %slice3A_483[0] : f32 from vector<1xf32>
        %slice3A_485 = vector.extract_strided_slice %get3A_468 {offsets = [3], sizes = [1], strides = [1]} : vector<16xf32> to vector<1xf32>
        %squeeze3A_486 = vector.extract %slice3A_485[0] : f32 from vector<1xf32>
        %mul3A_487 = vector.broadcast %squeeze3A_480 : f32 to vector<16xf32>
        %mul3A_488 = arith.mulf %mul3A_487, %max3A_412 : vector<16xf32>
        %mul3A_489 = vector.broadcast %squeeze3A_482 : f32 to vector<16xf32>
        %mul3A_490 = arith.mulf %mul3A_489, %max3A_422 : vector<16xf32>
        %add3A_491 = arith.addf %mul3A_488, %mul3A_490 : vector<16xf32>
        %mul3A_492 = vector.broadcast %squeeze3A_484 : f32 to vector<16xf32>
        %mul3A_493 = arith.mulf %mul3A_492, %max3A_432 : vector<16xf32>
        %add3A_494 = arith.addf %add3A_491, %mul3A_493 : vector<16xf32>
        %mul3A_495 = vector.broadcast %squeeze3A_486 : f32 to vector<16xf32>
        %mul3A_496 = arith.mulf %mul3A_495, %max3A_442 : vector<16xf32>
        %add3A_497 = arith.addf %add3A_494, %mul3A_496 : vector<16xf32>
        %mul3A_498 = arith.constant 4 : i32
        %mul3A_499 = arith.muli %while3A_478, %mul3A_498 : i32
        %swap3A_500 = arith.index_cast %mul3A_499 : i32 to index
        %swap3A_501 = tpu.vector_load %arg12[%swap3A_500] {strides = array<i32>} : memref<1280xf32, #tpu.memory_space<vmem>>, vector<16xf32>,
        %swap3A_502 = vector.shape_cast %swap3A_501 : vector<16xf32> to vector<16xf32>
        %swap3A_503 = vector.shape_cast %add3A_497 : vector<16xf32> to vector<16xf32>
        tpu.vector_store %arg12[%swap3A_500], %swap3A_503 {strides = array<i32>} : memref<1280xf32, #tpu.memory_space<vmem>>, vector<16xf32>,
      }
      "tpu.region"() ({
        %run_scoped3A = tpu.sem_alloc : memref<!tpu.dma_semaphore, #tpu.memory_space<semaphore_mem>>
        %dma_start3A = arith.constant 0 : i32
        %dma_start3A_478 = tpu.memref_slice %arg4[%add3A, %dma_start3A] : memref<4x1280xf32, #tpu.memory_space<hbm>> -> memref<1x1280xf32, #tpu.memory_space<hbm>>
        %dma_start3A_479 = tpu.memref_squeeze %dma_start3A_478 : memref<1x1280xf32, #tpu.memory_space<hbm>> -> memref<1280xf32, #tpu.memory_space<hbm>>
        %dma_start3A_480 = arith.constant 0 : i32
        %dma_start3A_481 = tpu.memref_slice %arg4[%add3A, %dma_start3A_480] : memref<4x1280xf32, #tpu.memory_space<hbm>> -> memref<1x1280xf32, #tpu.memory_space<hbm>>
        %dma_start3A_482 = tpu.memref_squeeze %dma_start3A_481 : memref<1x1280xf32, #tpu.memory_space<hbm>> -> memref<1280xf32, #tpu.memory_space<hbm>>
        tpu.enqueue_dma source(%arg12 : memref<1280xf32, #tpu.memory_space<vmem>>) target(%dma_start3A_482 : memref<1280xf32, #tpu.memory_space<hbm>>) target_semaphore(%run_scoped3A : memref<!tpu.dma_semaphore, #tpu.memory_space<semaphore_mem>>)
        %dma_wait3A = arith.constant 0 : i32
        %dma_wait3A_483 = tpu.memref_slice %arg4[%add3A, %dma_wait3A] : memref<4x1280xf32, #tpu.memory_space<hbm>> -> memref<1x1280xf32, #tpu.memory_space<hbm>>
        %dma_wait3A_484 = tpu.memref_squeeze %dma_wait3A_483 : memref<1x1280xf32, #tpu.memory_space<hbm>> -> memref<1280xf32, #tpu.memory_space<hbm>>
        %dma_wait3A_485 = arith.constant 0 : i32
        %dma_wait3A_486 = tpu.memref_slice %arg4[%add3A, %dma_wait3A_485] : memref<4x1280xf32, #tpu.memory_space<hbm>> -> memref<1x1280xf32, #tpu.memory_space<hbm>>
        %dma_wait3A_487 = tpu.memref_squeeze %dma_wait3A_486 : memref<1x1280xf32, #tpu.memory_space<hbm>> -> memref<1280xf32, #tpu.memory_space<hbm>>
        tpu.wait_dma2 semaphore(%run_scoped3A : memref<!tpu.dma_semaphore, #tpu.memory_space<semaphore_mem>>) src(%arg12 : memref<1280xf32, #tpu.memory_space<vmem>>) dst(%dma_wait3A_487 : memref<1280xf32, #tpu.memory_space<hbm>>)
        tpu.yield
      }) : () -> ()
    } else {
    }
    return
  }
}

</mosaic_0001>

<sc_bundles>
// kernel: kernel.3.cloned.1.call-start
scs
__scs_entry_jumppad:
0x0: {  	(pc) =	sbr.rel $0x88, $3  }
0x1: {  	(tag) =	ssettag $0x0;
	lr =	simm.s32 $0x1  }
0x2: {  	[smem:$0x3F9F] =	sst lr;
	_ =	strace $0xD0000000  }
0x3: {  	_ = 	snop  }
0x4: {  	_ = 	snop  }
0x5: {  	_ = 	snop  }
0x6: {  	_ = 	snop  }
0x7: {  	_ = 	snop  }
__scs_overlays_trampoline_lowered:
0x8: {  	[smem:$0x3FAE] =	sst s0  }
0x9: {  	[smem:$0x3FAF] =	sst s1  }
0xa: {  	[smem:$0x3FB0] =	sst s2  }
0xb: {  	[smem:$0x3FB1] =	sst s3  }
0xc: {  	[smem:$0x3FB2] =	sst s4  }
0xd: {  	[smem:$0x3FB3] =	sst s5  }
0xe: {  	[smem:$0x3FB4] =	sst s6  }
0xf: {  	[smem:$0x3FB5] =	sst s7  }
0x10: {  	[smem:$0x3FB6] =	sst s8  }
0x11: {  	[smem:$0x3FB7] =	sst s9;
	s0 =	simm.s32 @!p0 $0x0  }
0x12: {  	s1 =	sld [smem:$0x3F9D];
	s0 =	simm.s32 @p0 $0x1  }
0x13: {  	[smem:$0x3FB8] =	sst s0;
	s0 =	simm.s32 @!p1 $0x0  }
0x14: {  	s2 =	sld [smem:$0x3F9C];
	s0 =	simm.s32 @p1 $0x1  }
0x15: {  	[smem:$0x3FB9] =	sst s0;
	s0 =	simm.s32 @!p2 $0x0  }
0x16: {  	s3 =	sld [smem:$0x3FDB];
	s0 =	simm.s32 @p2 $0x1  }
0x17: {  	s4 =	simm.s32 $0x1BF5;
	[smem:$0x3FBB] =	sst s0  }
0x18: {  	s0 =	sld [smem:$0x3F9E];
	_ =	swait.ge [sflag:s4], $0x0  }
0x19: {  	s7 =	sld [smem:$0x3F9F]  }
0x1a: {  	s8 =	sadd.s32 $0xFFFFE003, lr  }
0x1b: {  	s9 =	sadd.s32 $0xFFFFFEF7, lr;
	s5 =	simm.s32 $0xFFFFFFFF;
	p2 =	slt.u32 s8, $0xFFFFF086  }
0x1c: {  	p1 =	slt.u32 s9, $0xF7A;
	s5 =	simm.s32 @!p2 $0x0  }
0x1d: {  	s5 =	simm.s32 @p1 $0x1;
	p0 =	seq.s32 s7, s2  }
0x1e: {  	s7 =	smul.u32 @!p0 $0xF7A, s2;
	p2 =	seq.s32 @!p0 s5, $0x0  }
0x1f: {  	s9 =	smul.u32 $0xF7A, s1;
	s8 =	simm.s32 @!p0 $0x1BF5;
	p2 =	por !p2, p0  }
0x20: {  	[sflag:s8] =	ssyncset.s32 @!p0 $0xFFFFF086;
	s6 =	sadd.s32 @!p0 s3, s7;
	s7 =	simm.s32 @!p0 $0x108  }
0x21: {  	s3 =	sadd.s32 s3, s9;
	s6 =	sadd.s32 @!p0 $0x88, s6;
	s7 =	simm.s32 @p2 $0x1082  }
0x22: {  	[simem:s7], [sflag:s8] =	dma.local @!p0 [hbm:s6], $0xF7A  }
0x23: {  	s9 =	sor.u32 $0xD0000000, s2;
	s6 =	simm.s32 $0x108;
	_ =	swait.ge @!p0 [sflag:s8], $0x0  }
0x24: {  	s3 =	sadd.s32 $0x88, s3;
	s6 =	simm.s32 @!p1 $0x1082;
	[sflag:s4] =	ssyncset.s32 $0xFFFFF086  }
0x25: {  	[simem:s6], [sflag:s4] =	dma.local [hbm:s3], $0xF7A  }
0x26: {  	[smem:$0x3F9F] =	sst s1;
	(tag) =	ssettag s2;
	_ =	strace s9  }
0x27: {  	s1 =	sld [smem:$0x3FAF]  }
0x28: {  	s2 =	sld [smem:$0x3FB0]  }
0x29: {  	s4 =	sld [smem:$0x3FB2]  }
0x2a: {  	p0 =	seq.s32 s5, $0x0;
	s5 =	sld [smem:$0x3FB3]  }
0x2b: {  	s6 =	sld [smem:$0x3FB4]  }
0x2c: {  	s7 =	sld [smem:$0x3FB5]  }
0x2d: {  	s3 =	simm.s32 $0x108;
	s8 =	sld [smem:$0x3FB6]  }
0x2e: {  	s3 =	simm.s32 @!p0 $0x1082;
	s9 =	sld [smem:$0x3FB7]  }
0x2f: {  	lr =	sadd.s32 s0, s3;
	s0 =	sld [smem:$0x3FAE]  }
0x30: {  	s3 =	sld [smem:$0x3FB1]  }
0x31: {  	[smem:$0x3FBA] =	sst s10  }
0x32: {  	s10 =	sld [smem:$0x3FB8];
	_ =	sdelay $0x3  }
0x33: {  	p0 =	seq.s32 s10, $0x1;
	s10 =	sld [smem:$0x3FBA];
	_ =	sdelay $0x3  }
0x34: {  	[smem:$0x3FBA] =	sst s10  }
0x35: {  	s10 =	sld [smem:$0x3FB9];
	_ =	sdelay $0x3  }
0x36: {  	p1 =	seq.s32 s10, $0x1;
	s10 =	sld [smem:$0x3FBA];
	_ =	sdelay $0x3  }
0x37: {  	[smem:$0x3FBA] =	sst s10  }
0x38: {  	s10 =	sld [smem:$0x3FBB]  }
0x39: {  	_ = 	snop;
	(pc) =	sbr.ind lr, $3  }
0x3a: {  	_ = 	snop  }
0x3b: {  	_ = 	snop  }
0x3c: {  	p2 =	seq.s32 s10, $0x1;
	s10 =	sld [smem:$0x3FBA]  }
0x3d: {  	_ =	shalt  }
0x3e: {  	_ =	shalt  }
0x3f: {  	_ =	shalt  }
0x40: {  	_ =	shalt  }
0x41: {  	_ =	shalt  }
0x42: {  	_ =	shalt  }
0x43: {  	_ =	shalt  }
0x44: {  	_ =	shalt  }
0x45: {  	_ =	shalt  }
0x46: {  	_ =	shalt  }
0x47: {  	_ =	shalt  }
0x48: {  	_ =	shalt  }
0x49: {  	_ =	shalt  }
0x4a: {  	_ =	shalt  }
0x4b: {  	_ =	shalt  }
0x4c: {  	_ =	shalt  }
0x4d: {  	_ =	shalt  }
0x4e: {  	_ =	shalt  }
0x4f: {  	_ =	shalt  }
0x50: {  	_ =	shalt  }
0x51: {  	_ =	shalt  }
0x52: {  	_ =	shalt  }
0x53: {  	_ =	shalt  }
0x54: {  	_ =	shalt  }
0x55: {  	_ =	shalt  }
0x56: {  	_ =	shalt  }
0x57: {  	_ =	shalt  }
0x58: {  	_ =	shalt  }
0x59: {  	_ =	shalt  }
0x5a: {  	_ =	shalt  }
0x5b: {  	_ =	shalt  }
0x5c: {  	_ =	shalt  }
0x5d: {  	_ =	shalt  }
0x5e: {  	_ =	shalt  }
0x5f: {  	_ =	shalt  }
0x60: {  	_ =	shalt  }
0x61: {  	_ =	shalt  }
0x62: {  	_ =	shalt  }
0x63: {  	_ =	shalt  }
0x64: {  	_ =	shalt  }
0x65: {  	_ =	shalt  }
0x66: {  	_ =	shalt  }
0x67: {  	_ =	shalt  }
0x68: {  	_ =	shalt  }
0x69: {  	_ =	shalt  }
0x6a: {  	_ =	shalt  }
0x6b: {  	_ =	shalt  }
0x6c: {  	_ =	shalt  }
0x6d: {  	_ =	shalt  }
0x6e: {  	_ =	shalt  }
0x6f: {  	_ =	shalt  }
0x70: {  	_ =	shalt  }
0x71: {  	_ =	shalt  }
0x72: {  	_ =	shalt  }
0x73: {  	_ =	shalt  }
0x74: {  	_ =	shalt  }
0x75: {  	_ =	shalt  }
0x76: {  	_ =	shalt  }
0x77: {  	_ =	shalt  }
0x78: {  	_ =	shalt  }
0x79: {  	_ =	shalt  }
0x7a: {  	_ =	shalt  }
0x7b: {  	_ =	shalt  }
0x7c: {  	_ =	shalt  }
0x7d: {  	_ =	shalt  }
0x7e: {  	_ =	shalt  }
0x7f: {  	_ =	shalt  }
0x80: {  	_ =	shalt  }
0x81: {  	_ =	shalt  }
0x82: {  	_ =	shalt  }
0x83: {  	_ =	shalt  }
0x84: {  	_ =	shalt  }
0x85: {  	_ =	shalt  }
0x86: {  	_ =	shalt  }
0x87: {  	_ =	shalt  }
.Lfunc_end0:
.L_simem_size_0:
called_computation_lowered:
.L_overlay_start_0:
0x88: {  	s2 =	sld [smem:$0x3FD9]  }
0x89: {  	s3 =	sld [smem:$0x3FFE];
	_ =	sdelay $0x1  }
0x8a: {  	s1 =	srdreg.scid  }
0x8b: {  	s0 =	sand.u32 $0x1, s1  }
0x8c: {  	s17 =	sshll.u32 s0, $0xA;
	s2 =	sadd.s32 s3, s2  }
0x8d: {  	s2 =	sadd.s32 s2, s17  }
0x8e: {  	[smem:$0x3FC6] =	sst s2  }
0x8f: {  	_ = 	snop  }
0x90: {  	s2 =	sld [smem:$0x3FD0];
	(tm) =	ssettm $0x1  }
0x91: {  	s18 =	sld [smem:$0x3FFB];
	_ =	sdelay $0x3  }
0x92: {  	_ =	strace s18  }
0x93: {  	s3 =	sld [smem:$0x3FFC];
	_ =	sdelay $0x3  }
0x94: {  	_ =	strace s3  }
0x95: {  	s3 =	sld [smem:$0x3FFD];
	_ =	sdelay $0x3  }
0x96: {  	_ =	strace s3  }
0x97: {  	_ =	strace $0x8FFFFFFF  }
0x98: {  	s19 =	sld [smem:$0x3FDB];
	_ =	sdelay $0x1  }
0x99: {  	s4 =	simm.s32 $_scs_section_size  }
0x9a: {  	s5 =	simm.s32 $_size__tile_overlayer_lowered;
	s6 =	simm.s32 $_tile_overlayer_lowered  }
0x9b: {  	s22 =	simm.s32 $0x1BFF;
	s21 =	sshll.u32 s6, $0x1;
	s3 =	sadd.s32 s4, s19  }
0x9c: {  	s7 =	simm.s32 $0x0;
	s20 =	sshll.u32 s5, $0x1;
	s5 =	sadd.s32 s21, s3  }
0x9d: {  	[timem:s7], [sflag:s22] =	dma.local [hbm:s5], s20  }
0x9e: {  	_ =	swait.ge [sflag:s22], s20  }
0x9f: {  	s4 =	ssub.s32 $0x0, s20;
	[sflag:s22] =	ssyncset.done $0x0  }
0xa0: {  	[sflag:s22] =	ssyncadd.s32 s4;
	_ =	sdelay $0x1  }
0xa1: {  	s23 =	simm.s32 $0x1B8B  }
0xa2: {  	_ =	swait.ge [sflag:s23], $0x1  }
0xa3: {  	[sflag:s23] =	ssyncset.done $0x0  }
0xa4: {  	s25 =	simm.s32 $0x1B8E;
	s24 =	sld [smem:$0x3FFE];
	[sflag:s23] =	ssyncadd.s32 $0xFFFFFFFF  }
0xa5: {  	s26 =	simm.s32 $execute0_lowered;
	[smem:$0x3FD2] =	sst s25  }
0xa6: {  	s5 =	sshll.u32 s26, $0x1;
	_ =	strace $0x80000046;
	[dreg:$0x1] =	wrdreg $0xFFFFFFFF  }
0xa7: {  	s28 =	simm.s32 $_size_execute0_lowered;
	s3 =	sadd.s32 s3, s5;
	[dreg:$0x0] =	wrdreg $0x0  }
0xa8: {  	s5 =	sshll.u32 s28, $0x1;
	[dreg:$0x2] =	wrdreg s3  }
0xa9: {  	[dreg:$0x3] =	wrdreg s5  }
0xaa: {  	[dreg:$0x4] =	wrdreg $0xC0  }
0xab: {  	_ =	task [dreg:s7], $0x5FFFF  }
0xac: {  	[dreg:$0x1] =	wrdreg $0xFFFFFFFF  }
0xad: {  	[dreg:$0x0] =	wrdreg $0x60  }
0xae: {  	[dreg:$0x2] =	wrdreg s24  }
0xaf: {  	[dreg:$0x3] =	wrdreg s2  }
0xb0: {  	[dreg:$0x4] =	wrdreg $0x9  }
0xb1: {  	_ =	task.clear_ibuf [dreg:s7], $0x5FFFF;
	_ =	strace $0x90000046  }
0xb2: {  	s29 =	simm.s32 $0x9;
	_ =	strace $0x80000048  }
0xb3: {  	_ =	swait.ge [sflag:s29], $0x1  }
0xb4: {  	[sflag:s29] =	ssyncadd.s32 $0xFFFFFFFF  }
0xb5: {  	_ =	strace $0x90000048  }
0xb6: {  	_ =	sfence  }
0xb7: {  	s30 =	sld [smem:$0x0];
	_ =	sdelay $0x2  }
0xb8: {  	s31 =	sshll.u32 s1, $0xD;
	s1 =	sshrl.u32 s1, $0x2  }
0xb9: {  	s3 =	sand.u32 $0x4000, s31;
	s1 =	sadd.s32 s1, s30  }
0xba: {  	s0 =	sor.u32 s3, s0;
	s1 =	sshll.u32 s1, $0x11  }
0xbb: {  	s0 =	sor.u32 s1, s0  }
0xbc: {  	s0 =	sadd.s32 $0x8F2B, s0  }
0xbd: {  	[sflag:s0] =	ssyncadd.remote.s32 $0x1  }
0xbe: {  	_ =	sfence.sel $0xFFFF  }
0xbf: {  	[dreg:$0x0] =	wrdreg $0xFFFFFFFF;
	(pc) =	sbr.abs _section_cstart, $3  }
0xc0: {  	[dreg:$0x1] =	wrdreg $0xFFFFFFFF  }
0xc1: {  	_ =	task.clear_ibuf [dreg:s7], $0x2FFFF;
	_ =	strace $0x9FFFFFFF  }
0xc2: {  	(tm) =	ssettm $0x7FFFFFFF  }
0xc3: {  	_ =	shalt  }
tec
execute0_lowered:
.L_overlay_start_1:
0x0: {  	(tag) =	ssettag $0x1  }
0x1: {  	s0 =	srdreg.scid  }
0x2: {  	s3 =	sand.u32 $0x1, s0  }
0x3: {  	s1 =	stileid.u32;
	s6 =	sshll.u32 s3, $0x4  }
0x4: {  	s6 =	sor.u32 s1, s6  }
0x5: {  	p0 =	sgt.u32 s6, $0x3  }
.Ltmp0:
0x6: {  	_ = 	snop;
	(pc) =	sbr.rel @p0 .LBB2_26-.Ltmp0, $4  }
0x7: {  	s5 =	rddreg [dreg:$0x0]  }
0x8: {  	s4 =	rddreg [dreg:$0x1];
	s2 =	simm.s32 $0x0  }
0x9: {  	[smem:$0x7FF] =	sst s2  }
0xa: {  	s0 =	rddreg [dreg:$0x2];
	_ =	strace $0x80000047  }
0xb: {  	v0 =	vimm.s32 $0xFEDCBA98  }
0xc: {  	v1 =	vimm.s32 $0x76543210;
	v0 =	vunpack.c.l.s4.s8 v0  }
0xd: {  	v1 =	vunpack.c.l.s4.s8 v1  }
0xe: {  	v4 =	vimm.s32 $0x3210FEDC;
	v5 =	vimm.s32 $0x10FEDCBA;
	v2 =	vunpack.c.0.s8.s32 v0  }
0xf: {  	v6 =	vimm.s32 $0x98765432;
	v7 =	vimm.s32 $0xFEDCBA9;
	v3 =	vunpack.c.0.s8.s32 v1  }
0x10: {  	vm0 =	vcmask $0x300;
	vm13 =	vcmask $0x704;
	v2 =	vand.u32 $0xF, v2  }
0x11: {  	v2 =	vcombine.low v2, v3;
	v3 =	vunpack.c.l.s4.s8 v4;
	v4 =	vimm.s32 $0xBA987654  }
0x12: {  	vm14 =	vcmask $0xB08;
	v5 =	vunpack.c.l.s4.s8 v5;
	v4 =	vunpack.c.l.s4.s8 v4  }
0x13: {  	vm15 =	vcmask $0xF0C;
	v6 =	vunpack.c.l.s4.s8 v6;
	v1 =	vimm.f32 $0.0e+00  }
0x14: {  	v10 =	vunpack.c.0.s8.s32 v5;
	v9 =	vunpack.c.0.s8.s32 v4;
	v4 =	vimm.s32 $0x87654321  }
.Ltmp1:
0x15: {  	s6 =	sshll.u32 s1, $0x4;
	s8 =	ssub.s32 $0x2, s3;
	v8 =	vunpack.c.0.s8.s32 v3;
	v3 =	vunpack.c.l.s4.s8 v7;
	v5 =	vunpack.c.l.s4.s8 v4;
	(pc) =	sbr.rel .LBB2_2-.Ltmp1, $4  }
0x16: {  	s9 =	simm.s32 $0x9C80;
	s10 =	simm.s32 $0x1;
	s11 =	simm.s32 $0xB800;
	v0 =	vimm.f32 $2.000000000e+09;
	v11 =	vunpack.c.0.s8.s32 v6;
	v7 =	vsel vm14, $0x3F800000, v1  }
0x17: {  	s7 =	sadd.s32 s6, s5;
	s31 =	sshrl.u32 s8, $0x1;
	s4 =	sadd.s32 s4, s6;
	v12 =	vunpack.c.0.s8.s32 v3;
	v3 =	vsel vm0, $0x3F800000, v1;
	v13 =	vunpack.c.0.s8.s32 v5  }
0x18: {  	s5 =	sadd.s32 s5, s6;
	s3 =	sadd.s32 $0x5000, s7;
	s7 =	ssub.s32 s8, s31;
	v4 =	vsel vm0, $0x0, v0;
	v6 =	vcombine.low v9, v8;
	v8 =	vcombine.low v11, v10  }
0x19: {  	s8 =	simm.s32 $0x200;
	s6 =	smax.u32 s7, $0x1;
	s7 =	simm.s32 $0x80;
	v10 =	vsel vm15, $0x3F800000, v1;
	v5 =	vsel vm13, $0x3F800000, v1;
	v9 =	vcombine.low v13, v12  }
.LBB2_25:
0x1a: {  	s2 =	sadd.s32 $0x1, s2  }
0x1b: {  	p0 =	sne.s32 s2, s6  }
.Ltmp2:
0x1c: {  	_ = 	snop;
	(pc) =	sbr.rel @!p0 .LBB2_26-.Ltmp2, $4  }
0x1d: {  	[hbm4b:s4+s7] =	stream.strided.scatter [tilespmem:s11], [sflag:$0x1], $0x500, s8, s7, $0x38;
	[tilespmem:$0xBD00] =	vst v63  }
0x1e: {  	_ =	swait.ge [sflag:s10], $0x500  }
0x1f: {  	[sflag:s10] =	ssyncset.done $0x0  }
0x20: {  	[sflag:s10] =	ssyncadd.s32 $0xFFFFFB00  }
.LBB2_2:
0x21: {  	s12 =	simm.s32 $0x0  }
0x22: {  	[tilespmem:s12], [sflag:$0x1] =	stream.strided.gather [hbm4b:s5+s7], $0x9C80, s8, s7, $0x38;
	[tilespmem:$0xBD00] =	vst v63  }
0x23: {  	_ =	swait.ge [sflag:s10], $0x9C80  }
0x24: {  	[sflag:s10] =	ssyncset.done $0x0  }
0x25: {  	[sflag:s10] =	ssyncadd.s32 $0xFFFF6380  }
0x26: {  	[tilespmem:s9], [sflag:$0x1] =	stream.strided.gather [hbm4b:s3+s7], $0x1400, s8, s7, $0x38;
	[tilespmem:$0xBD00] =	vst v63  }
0x27: {  	_ =	swait.ge [sflag:s10], $0x1400  }
0x28: {  	[sflag:s10] =	ssyncset.done $0x0  }
0x29: {  	[sflag:s10] =	ssyncadd.s32 $0xFFFFEC00  }
0x2a: {  	[tilespmem:$0xB080] =	vst v0  }
0x2b: {  	[tilespmem:$0xB200] =	vst v1  }
0x2c: {  	[tilespmem:$0xB380] =	vst v0  }
0x2d: {  	[tilespmem:$0xB500] =	vst v1  }
0x2e: {  	[tilespmem:$0xB680] =	vst v1  }
0x2f: {  	[tilespmem:$0xB090] =	vst v0  }
0x30: {  	[tilespmem:$0xB210] =	vst v1  }
0x31: {  	[tilespmem:$0xB390] =	vst v0  }
0x32: {  	[tilespmem:$0xB510] =	vst v1  }
0x33: {  	[tilespmem:$0xB690] =	vst v1  }
0x34: {  	[tilespmem:$0xB0A0] =	vst v0  }
0x35: {  	[tilespmem:$0xB220] =	vst v1  }
0x36: {  	[tilespmem:$0xB3A0] =	vst v0  }
0x37: {  	[tilespmem:$0xB520] =	vst v1  }
0x38: {  	[tilespmem:$0xB6A0] =	vst v1  }
0x39: {  	[tilespmem:$0xB0B0] =	vst v0  }
0x3a: {  	[tilespmem:$0xB230] =	vst v1  }
0x3b: {  	[tilespmem:$0xB3B0] =	vst v0  }
0x3c: {  	[tilespmem:$0xB530] =	vst v1  }
0x3d: {  	[tilespmem:$0xB6B0] =	vst v1  }
0x3e: {  	[tilespmem:$0xB0C0] =	vst v0  }
0x3f: {  	[tilespmem:$0xB240] =	vst v1  }
0x40: {  	[tilespmem:$0xB3C0] =	vst v0  }
0x41: {  	[tilespmem:$0xB540] =	vst v1  }
0x42: {  	[tilespmem:$0xB6C0] =	vst v1  }
0x43: {  	[tilespmem:$0xB0D0] =	vst v0  }
0x44: {  	[tilespmem:$0xB250] =	vst v1  }
0x45: {  	[tilespmem:$0xB3D0] =	vst v0  }
0x46: {  	[tilespmem:$0xB550] =	vst v1  }
0x47: {  	[tilespmem:$0xB6D0] =	vst v1  }
0x48: {  	[tilespmem:$0xB0E0] =	vst v0  }
0x49: {  	[tilespmem:$0xB260] =	vst v1  }
0x4a: {  	[tilespmem:$0xB3E0] =	vst v0  }
0x4b: {  	[tilespmem:$0xB560] =	vst v1  }
0x4c: {  	[tilespmem:$0xB6E0] =	vst v1  }
0x4d: {  	[tilespmem:$0xB0F0] =	vst v0  }
0x4e: {  	[tilespmem:$0xB270] =	vst v1  }
0x4f: {  	[tilespmem:$0xB3F0] =	vst v0  }
0x50: {  	[tilespmem:$0xB570] =	vst v1  }
0x51: {  	[tilespmem:$0xB6F0] =	vst v1  }
0x52: {  	[tilespmem:$0xB100] =	vst v0  }
0x53: {  	[tilespmem:$0xB280] =	vst v1  }
0x54: {  	[tilespmem:$0xB400] =	vst v0  }
0x55: {  	[tilespmem:$0xB580] =	vst v1  }
0x56: {  	[tilespmem:$0xB700] =	vst v1  }
0x57: {  	[tilespmem:$0xB110] =	vst v0  }
0x58: {  	[tilespmem:$0xB290] =	vst v1  }
0x59: {  	[tilespmem:$0xB410] =	vst v0  }
0x5a: {  	[tilespmem:$0xB590] =	vst v1  }
0x5b: {  	[tilespmem:$0xB710] =	vst v1  }
0x5c: {  	[tilespmem:$0xB120] =	vst v0  }
0x5d: {  	[tilespmem:$0xB2A0] =	vst v1  }
0x5e: {  	[tilespmem:$0xB420] =	vst v0  }
0x5f: {  	[tilespmem:$0xB5A0] =	vst v1  }
0x60: {  	[tilespmem:$0xB720] =	vst v1  }
0x61: {  	[tilespmem:$0xB130] =	vst v0  }
0x62: {  	[tilespmem:$0xB2B0] =	vst v1  }
0x63: {  	[tilespmem:$0xB430] =	vst v0  }
0x64: {  	[tilespmem:$0xB5B0] =	vst v1  }
0x65: {  	[tilespmem:$0xB730] =	vst v1  }
0x66: {  	[tilespmem:$0xB140] =	vst v0  }
0x67: {  	[tilespmem:$0xB2C0] =	vst v1  }
0x68: {  	[tilespmem:$0xB440] =	vst v0  }
0x69: {  	[tilespmem:$0xB5C0] =	vst v1  }
0x6a: {  	[tilespmem:$0xB740] =	vst v1  }
0x6b: {  	[tilespmem:$0xB150] =	vst v0  }
0x6c: {  	[tilespmem:$0xB2D0] =	vst v1  }
0x6d: {  	[tilespmem:$0xB450] =	vst v0  }
0x6e: {  	[tilespmem:$0xB5D0] =	vst v1  }
0x6f: {  	[tilespmem:$0xB750] =	vst v1  }
0x70: {  	[tilespmem:$0xB160] =	vst v0  }
0x71: {  	[tilespmem:$0xB2E0] =	vst v1  }
0x72: {  	[tilespmem:$0xB460] =	vst v0  }
0x73: {  	[tilespmem:$0xB5E0] =	vst v1  }
0x74: {  	[tilespmem:$0xB760] =	vst v1  }
0x75: {  	[tilespmem:$0xB170] =	vst v0  }
0x76: {  	[tilespmem:$0xB2F0] =	vst v1  }
0x77: {  	[tilespmem:$0xB470] =	vst v0  }
0x78: {  	[tilespmem:$0xB5F0] =	vst v1  }
0x79: {  	[tilespmem:$0xB770] =	vst v1  }
0x7a: {  	[tilespmem:$0xB180] =	vst v0  }
0x7b: {  	[tilespmem:$0xB300] =	vst v1  }
0x7c: {  	[tilespmem:$0xB480] =	vst v0  }
0x7d: {  	[tilespmem:$0xB600] =	vst v1  }
0x7e: {  	[tilespmem:$0xB780] =	vst v1  }
0x7f: {  	[tilespmem:$0xB190] =	vst v0  }
0x80: {  	[tilespmem:$0xB310] =	vst v1  }
0x81: {  	[tilespmem:$0xB490] =	vst v0  }
0x82: {  	[tilespmem:$0xB610] =	vst v1  }
0x83: {  	[tilespmem:$0xB790] =	vst v1  }
0x84: {  	[tilespmem:$0xB1A0] =	vst v0  }
0x85: {  	[tilespmem:$0xB320] =	vst v1  }
0x86: {  	[tilespmem:$0xB4A0] =	vst v0  }
0x87: {  	[tilespmem:$0xB620] =	vst v1  }
0x88: {  	[tilespmem:$0xB7A0] =	vst v1  }
.Ltmp3:
0x89: {  	[tilespmem:$0xB1B0] =	vst v0;
	(pc) =	sbr.rel .LBB2_3-.Ltmp3, $4  }
0x8a: {  	[tilespmem:$0xB330] =	vst v1  }
0x8b: {  	[tilespmem:$0xB4B0] =	vst v0  }
0x8c: {  	[tilespmem:$0xB630] =	vst v1;
	[smem:$0x0] =	sst s12  }
0x8d: {  	s13 =	simm.s32 $0x0;
	s15 =	simm.s32 $0x1;
	[tilespmem:$0xB7B0] =	vst v1;
	[smem:$0x1] =	sst s10  }
.LBB2_4:
0x8e: {  	s15 =	simm.s32 $0x0  }
.LBB2_21:
0x8f: {  	s13 =	sadd.s32 $0x1, s13  }
0x90: {  	p0 =	sne.s32 s13, $0x64  }
.Ltmp4:
0x91: {  	_ = 	snop;
	(pc) =	sbr.rel @!p0 .LBB2_22-.Ltmp4, $1  }
0x92: {  	_ =	sdelay $0x3  }
.LBB2_3:
0x93: {  	p0 =	sne.s32 s15, $0x1  }
.Ltmp5:
0x94: {  	_ = 	snop;
	(pc) =	sbr.rel @p0 .LBB2_4-.Ltmp5, $1  }
0x95: {  	_ =	sdelay $0x3  }
0x96: {  	s14 =	smul.u32 $0xC8, s13  }
.Ltmp6:
0x97: {  	_ = 	snop;
	(pc) =	sbr.rel .LBB2_6-.Ltmp6, $4  }
0x98: {  	_ = 	snop  }
0x99: {  	s14 =	sshra.s32 s14, $0x2  }
0x9a: {  	s16 =	sadd.s32 $0x9C80, s14  }
0x9b: {  	s15 =	simm.s32 $0x1;
	s14 =	simm.s32 $0x0;
	v11 =	vmov s16;
	s16 =	simm.s32 $0x1  }
.LBB2_7:
0x9c: {  	s16 =	simm.s32 $0x0  }
.LBB2_20:
0x9d: {  	s14 =	sadd.s32 $0x1, s14  }
0x9e: {  	p0 =	sne.s32 s14, $0x32  }
.Ltmp7:
0x9f: {  	_ = 	snop;
	(pc) =	sbr.rel @!p0 .LBB2_21-.Ltmp7, $1  }
0xa0: {  	_ =	sdelay $0x3  }
.LBB2_6:
0xa1: {  	p0 =	sne.s32 s16, $0x1  }
.Ltmp8:
0xa2: {  	_ = 	snop;
	(pc) =	sbr.rel @p0 .LBB2_7-.Ltmp8, $1  }
0xa3: {  	_ =	sdelay $0x3  }
0xa4: {  	_ =	sdelay $0x3  }
0xa5: {  	v12 =	vld.idx.msk [tilespmem:v11+s14+$0x0 ss:$0x1], $0xffff;
	_ =	sdelay $0x4  }
0xa6: {  	(v2sf) =	vpush v12, $0x0;
	_ =	sdelay $0xe  }
0xa7: {  	s15 =	spop (v2sf)  }
0xa8: {  	s15 =	sshll.u32 s15, $0x5  }
0xa9: {  	s15 =	sshra.s32 s15, $0x2  }
0xaa: {  	v12 =	vld [tilespmem:s15+$0x0];
	_ =	sdelay $0x4  }
0xab: {  	(v2sf) =	vpush v12, $0x0  }
0xac: {  	(v2sf) =	vpush v12, $0x1  }
0xad: {  	(v2sf) =	vpush v12, $0x2  }
0xae: {  	(v2sf) =	vpush v12, $0x3;
	_ =	sdelay $0x2  }
0xaf: {  	(v2sf) =	vpush v12, $0x4;
	_ =	sdelay $0x2  }
0xb0: {  	s19 =	sadd.s32 $0xF, s12  }
0xb1: {  	s16 =	sand.u32 $0xF, s19  }
0xb2: {  	s20 =	sshra.s32 s19, $0x1F;
	p0 =	slt.s32 s19, $0x1;
	p1 =	sne.s32 s16, $0x0  }
0xb3: {  	s20 =	sshrl.u32 s20, $0x1C;
	p0 =	por !p0, !p1  }
0xb4: {  	s22 =	simm.s32 $0x1;
	s19 =	sadd.s32 s20, s19;
	p0 =	por !p0, !p0  }
0xb5: {  	s19 =	sshra.s32 s19, $0x4;
	s22 =	simm.s32 @!p0 $0x0  }
0xb6: {  	s23 =	ssub.s32 s19, s22;
	s18 =	spop (v2sf)  }
0xb7: {  	p0 =	slt.s32 s23, $0x1;
	s15 =	spop (v2sf)  }
.Ltmp9:
0xb8: {  	s17 =	spop (v2sf);
	(pc) =	sbr.rel @p0 .LBB2_9-.Ltmp9, $4  }
0xb9: {  	s16 =	spop (v2sf);
	s20 =	ssub.f32 s17, s18  }
0xba: {  	s21 =	ssub.f32 s16, s15  }
0xbb: {  	v14 =	vbroadcast v12, $0x0;
	v15 =	vbroadcast v12, $0x1  }
0xbc: {  	v13 =	vbroadcast v12, $0x2;
	v12 =	vbroadcast v12, $0x3;
	s22 =	spop (v2sf);
	s19 =	smul.f32 s21, s20  }
0xbd: {  	s24 =	simm.s32 $0xB080;
	p2 =	sne.s32 s23, $0x1  }
.Ltmp10:
0xbe: {  	s25 =	simm.s32 $0xB200;
	v22 =	vld [tilespmem:s24+$0x0];
	(pc) =	sbr.rel @!p2 .LBB2_11-.Ltmp10, $4  }
0xbf: {  	s29 =	simm.s32 $0xB380;
	v21 =	vld [tilespmem:s25+$0x0]  }
0xc0: {  	s30 =	simm.s32 $0xB500;
	v18 =	vld [tilespmem:s29+$0x0]  }
0xc1: {  	s31 =	simm.s32 $0xB680;
	s23 =	sadd.s32 $0xFFFFFFFF, s23;
	v19 =	vld [tilespmem:s30+$0x0]  }
0xc2: {  	v16 =	vimm.f32 $-1.000000000e+00;
	p0 =	por $0x0, $0x0;
	p1 =	por $0x0, $0x0;
	v17 =	vmov s19;
	v25 =	vld [tilespmem:s31+$0x0];
	s24 =	simm.s32 $0xB090  }
0xc3: {  	_ =	sdelay $0x1  }
0xc4: {  	v20 =	vmax.f32 v22, v14  }
0xc5: {  	p2 =	sne.s32 s23, $0x1;
	s31 =	simm.s32 $0xB690;
	v21 =	vmax.f32 v21, v15;
	v22 =	vmin.f32 v18, v13;
	v19 =	vmin.f32 v19, v12  }
.Ltmp11:
0xc6: {  	v20 =	vsub.f32 v22, v20;
	v22 =	vsub.f32 v19, v21;
	v21 =	vld [tilespmem:s31+$0x0];
	(pc) =	sbr.rel @!p2 .LBB2_13-.Ltmp11, $4  }
0xc7: {  	v29 =	vld [tilespmem:s24+$0x0];
	s26 =	simm.s32 $0xB210  }
0xc8: {  	s29 =	simm.s32 $0xB390;
	v23 =	vld [tilespmem:s26+$0x0]  }
0xc9: {  	s30 =	simm.s32 $0xB510;
	v18 =	vld [tilespmem:s29+$0x0]  }
0xca: {  	s28 =	sadd.s32 $0xFFFFFFFF, s23;
	s23 =	simm.s32 $0xB0A0;
	p0 =	por $0x1, $0x1;
	v19 =	vld [tilespmem:s30+$0x0];
	v26 =	vmax.f32 v20, $0.0e+00;
	v28 =	vmax.f32 v22, $0.0e+00  }
0xcb: {  	_ =	sdelay $0x1  }
0xcc: {  	v20 =	vmul.f32 v28, v26;
	v22 =	vadd.f32 v25, v17;
	v30 =	vld [tilespmem:s23+$0x0];
	s23 =	simm.s32 $0xB220;
	p2 =	sne.s32 s28, $0x1  }
.Ltmp12:
0xcd: {  	s24 =	simm.s32 $0xB3A0;
	v24 =	vmax.f32 v29, v14;
	v25 =	vmax.f32 v23, v15;
	v23 =	vld [tilespmem:s23+$0x0];
	(pc) =	sbr.rel @!p2 .LBB2_15-.Ltmp12, $4  }
0xce: {  	s25 =	simm.s32 $0xB520;
	v22 =	vsub.f32 v22, v20;
	v26 =	vmin.f32 v18, v13;
	v18 =	vld [tilespmem:s24+$0x0];
	v19 =	vmin.f32 v19, v12  }
0xcf: {  	v26 =	vsub.f32 v26, v24;
	v25 =	vsub.f32 v19, v25;
	v19 =	vld [tilespmem:s25+$0x0]  }
0xd0: {  	s26 =	simm.s32 $0xB6A0;
	v24 =	vmul.f32 $-6.000000240e-01, v22  }
0xd1: {  	s28 =	sadd.s32 $0xFFFFFFFF, s28;
	s29 =	simm.s32 $0xB0B0;
	p1 =	por $0x1, $0x1;
	v27 =	vld [tilespmem:s26+$0x0];
	v22 =	vimm.f32 $-1.000000000e+00;
	v26 =	vmax.f32 v26, $0.0e+00;
	v28 =	vmax.f32 v25, $0.0e+00  }
.LBB2_16:
0xd2: {  	v25 =	vld [tilespmem:s29+$0x0];
	s23 =	sadd.s32 $0x10, s23;
	v21 =	vadd.f32 v21, v17;
	v24 =	vadd.f32 v24, v20;
	v20 =	vmul.f32 v28, v26;
	p2 =	sne.s32 s28, $0x1  }
.Ltmp13:
0xd3: {  	v26 =	vmax.f32 v30, v14;
	v28 =	vmax.f32 v23, v15;
	s24 =	sadd.s32 $0x10, s24;
	v23 =	vld [tilespmem:s23+$0x0];
	v29 =	vmin.f32 v18, v13;
	(pc) =	sbr.rel @p2 .LBB2_16-.Ltmp13, $4  }
0xd4: {  	s25 =	sadd.s32 $0x10, s25;
	v18 =	vld [tilespmem:s24+$0x0];
	v30 =	vmin.f32 v19, v12;
	v31 =	vsub.f32 v21, v20;
	v22 =	vmax.f32 v22, v24  }
0xd5: {  	s28 =	sadd.s32 $0xFFFFFFFF, s28;
	v26 =	vsub.f32 v29, v26;
	v19 =	vld [tilespmem:s25+$0x0];
	v28 =	vsub.f32 v30, v28  }
0xd6: {  	s26 =	sadd.s32 $0x10, s26;
	v24 =	vmul.f32 $-6.000000240e-01, v31;
	v21 =	vmov v27  }
0xd7: {  	s29 =	sadd.s32 $0x10, s29;
	v26 =	vmax.f32 v26, $0.0e+00;
	v27 =	vld [tilespmem:s26+$0x0];
	v28 =	vmax.f32 v28, $0.0e+00;
	v30 =	vmov v25  }
0xd8: {  	_ =	sdelay $0x3  }
0xd9: {  	v25 =	vmov v21;
	v29 =	vmov v30;
	v21 =	vmov v27  }
.LBB2_18:
0xda: {  	v25 =	vadd.f32 @p0 v25, v17;
	v27 =	vmax.f32 v29, v14  }
0xdb: {  	v23 =	vmax.f32 v23, v15;
	v18 =	vmin.f32 v18, v13;
	v19 =	vmin.f32 v19, v12  }
0xdc: {  	v26 =	vmul.f32 @p0 v28, v26;
	v18 =	vsub.f32 v18, v27;
	v19 =	vsub.f32 v19, v23;
	_ =	sdelay $0x1  }
0xdd: {  	v23 =	vsub.f32 @p0 v25, v26;
	v18 =	vmax.f32 v18, $0.0e+00;
	v19 =	vmax.f32 v19, $0.0e+00  }
0xde: {  	v17 =	vadd.f32 v21, v17;
	v18 =	vmul.f32 v19, v18  }
0xdf: {  	v19 =	vmul.f32 @p0 $-6.000000240e-01, v23  }
0xe0: {  	v20 =	vadd.f32 @p1 v24, v20;
	v17 =	vsub.f32 v17, v18  }
0xe1: {  	v21 =	vpsel p0, v26, v0;
	v19 =	vpsel p0, v19, v0  }
.Ltmp14:
0xe2: {  	v20 =	vmax.f32 @p1 v22, v20;
	v19 =	vadd.f32 @p0 v19, v21;
	v17 =	vmul.f32 $-6.000000240e-01, v17;
	(pc) =	sbr.rel .LBB2_19-.Ltmp14, $4  }
0xe3: {  	v20 =	vpsel p1, v20, v16  }
0xe4: {  	v19 =	vmax.f32 @p0 v20, v19;
	v17 =	vadd.f32 v17, v18  }
0xe5: {  	v16 =	vpsel p0, v19, v16  }
0xe6: {  	v16 =	vmax.f32 v16, v17  }
.LBB2_9:
0xe7: {  	v16 =	vimm.f32 $-1.000000000e+00  }
.LBB2_19:
0xe8: {  	v17 =	vperm.xlane v16, v2;
	_ =	sdelay $0x1  }
0xe9: {  	v16 =	vmax.f32 v16, v17  }
0xea: {  	v17 =	vperm.xlane v16, v6;
	_ =	sdelay $0x1  }
0xeb: {  	v16 =	vmax.f32 v16, v17  }
0xec: {  	v17 =	vperm.xlane v16, v8;
	_ =	sdelay $0x1  }
0xed: {  	v16 =	vmax.f32 v16, v17  }
0xee: {  	v17 =	vperm.xlane v16, v9;
	_ =	sdelay $0x1  }
0xef: {  	v16 =	vmax.f32 v16, v17  }
0xf0: {  	(v2sf) =	vpush v16, $0x0;
	_ =	sdelay $0xb  }
0xf1: {  	p0 =	sge.f32 s20, $8.000000000e+00;
	p1 =	sge.f32 s21, $8.000000000e+00  }
0xf2: {  	_ = 	snop  }
0xf3: {  	p2 =	sgt.f32 s22, $2.000000030e-01;
	p0 =	por !p0, !p1  }
0xf4: {  	p0 =	por !p0, !p0;
	s30 =	spop (v2sf)  }
0xf5: {  	p0 =	por !p0, !p2;
	p5 =	slt.f32 s30, $0.0e+00  }
0xf6: {  	p0 =	por !p0, !p0  }
0xf7: {  	p1 =	por !p0, !p5  }
0xf8: {  	p1 =	por !p1, !p1  }
0xf9: {  	s15 =	simm.s32 @!p1 $0x0  }
0xfa: {  	s18 =	simm.s32 @!p1 $0x4EEE6B28;
	s16 =	simm.s32 @!p1 $0x0;
	v18 =	vmul.f32 s15, v3  }
0xfb: {  	s17 =	simm.s32 @!p1 $0x4EEE6B28;
	s19 =	simm.s32 @!p1 $0x0;
	v59 =	vmul.f32 s18, v3;
	v62 =	vmul.f32 s16, v3  }
0xfc: {  	v60 =	vmul.f32 s17, v3;
	v63 =	vmul.f32 s19, v3;
	[tilespmem:s12+$0xB200] =	vst v18  }
0xfd: {  	v14 =	vmul.f32 v3, v14;
	v15 =	vmul.f32 v5, v15;
	v16 =	vadd.f32 v4, v59;
	[tilespmem:s12+$0xB500] =	vst v62  }
0xfe: {  	s15 =	simm.s32 $0x1;
	v61 =	vadd.f32 v4, v60;
	[tilespmem:s12+$0xB680] =	vst v63  }
0xff: {  	v13 =	vmul.f32 v7, v13;
	v14 =	vadd.f32 v15, v14;
	s15 =	simm.s32 @!p1 $0x0;
	[tilespmem:s12+$0xB080] =	vst v16  }
0x100: {  	s31 =	sshll.u32 s12, $0x4;
	[tilespmem:s12+$0xB380] =	vst v61;
	s12 =	sadd.s32 s15, s12  }
.Ltmp15:
0x101: {  	v12 =	vmul.f32 v10, v12;
	v13 =	vadd.f32 v14, v13;
	p6 =	slt.s32 s12, $0x12C;
	(pc) =	sbr.rel .LBB2_20-.Ltmp15, $4  }
0x102: {  	p0 =	por !p0, !p6  }
0x103: {  	v12 =	vadd.f32 v13, v12;
	s15 =	simm.s32 $0x1;
	p0 =	por !p0, !p0  }
0x104: {  	s16 =	sshra.s32 s31, $0x2;
	[smem:$0x0] =	sst s12;
	s15 =	simm.s32 @!p0 $0x0  }
0x105: {  	[tilespmem:s16+$0xB800] =	vst v12;
	[smem:$0x1] =	sst s15;
	s16 =	smov.u32 s15  }
.LBB2_11:
.Ltmp16:
0x106: {  	_ = 	snop;
	(pc) =	sbr.rel .LBB2_18-.Ltmp16, $2  }
0x107: {  	_ =	sdelay $0x2  }
0x108: {  	v29 =	vmovc v22;
	v22 =	vimm.f32 $-1.000000000e+00;
	v23 =	vmov v21;
	v21 =	vmov v25  }
.LBB2_13:
.Ltmp17:
0x109: {  	(pc) =	sbr.rel .LBB2_18-.Ltmp17, $2  }
0x10a: {  	_ =	sdelay $0x2  }
0x10b: {  	v22 =	vimm.f32 $-1.000000000e+00  }
.LBB2_15:
.Ltmp18:
0x10c: {  	_ = 	snop;
	(pc) =	sbr.rel .LBB2_18-.Ltmp18, $2  }
0x10d: {  	_ =	sdelay $0x2  }
0x10e: {  	v25 =	vmovc v21;
	v29 =	vmov v30;
	v22 =	vimm.f32 $-1.000000000e+00;
	v21 =	vmov v27  }
.LBB2_22:
0x10f: {  	p0 =	sgt.s32 s12, $0x12B  }
.Ltmp19:
0x110: {  	_ = 	snop;
	(pc) =	sbr.rel @p0 .LBB2_25-.Ltmp19, $1  }
0x111: {  	_ =	sdelay $0x3  }
0x112: {  	v11 =	vld [tilespmem:$0xB007];
	_ =	sdelay $0x4  }
0x113: {  	(v2sf) =	vpush v11, $0x0;
	_ =	sdelay $0xe  }
0x114: {  	s13 =	spop (v2sf)  }
0x115: {  	s13 =	sshll.u32 s13, $0x5  }
0x116: {  	s13 =	sshra.s32 s13, $0x2  }
0x117: {  	v11 =	vld [tilespmem:s13+$0x0];
	_ =	sdelay $0x4  }
0x118: {  	v12 =	vbroadcast v11, $0x0;
	v13 =	vbroadcast v11, $0x1  }
0x119: {  	v14 =	vbroadcast v11, $0x2  }
0x11a: {  	v12 =	vmul.f32 v3, v12;
	v13 =	vmul.f32 v5, v13;
	_ =	sdelay $0x1  }
0x11b: {  	s14 =	ssub.s32 $0x12C, s12;
	v11 =	vbroadcast v11, $0x3;
	v63 =	vmul.f32 v7, v14;
	v12 =	vadd.f32 v13, v12  }
0x11c: {  	p0 =	sne.s32 s14, $0x1  }
.Ltmp20:
0x11d: {  	v11 =	vmul.f32 v10, v11;
	v12 =	vadd.f32 v12, v63;
	(pc) =	sbr.rel @!p0 .LBB2_25-.Ltmp20, $4  }
0x11e: {  	s30 =	sshll.u32 s12, $0x4  }
0x11f: {  	s31 =	sshra.s32 s30, $0x2;
	v11 =	vadd.f32 v12, v11  }
0x120: {  	s12 =	sadd.s32 $0xB800, s31  }
0x121: {  	s13 =	sadd.s32 $0xFFFFFFFF, s14;
	[tilespmem:s12+$0x0] =	vst v11  }
.LBB2_24:
0x122: {  	p0 =	sne.s32 s13, $0x1  }
.Ltmp21:
0x123: {  	_ = 	snop;
	(pc) =	sbr.rel @p0 .LBB2_24-.Ltmp21, $3  }
0x124: {  	_ =	sdelay $0x1  }
0x125: {  	s13 =	sadd.s32 $0xFFFFFFFF, s13;
	s12 =	sadd.s32 $0x4, s12  }
0x126: {  	[tilespmem:s12+$0x0] =	vst v11  }
.Ltmp22:
0x127: {  	_ = 	snop;
	(pc) =	sbr.rel .LBB2_25-.Ltmp22, $1  }
0x128: {  	_ =	sdelay $0x3  }
.LBB2_26:
0x129: {  	_ =	sfence.sel $0x180000  }
0x12a: {  	[bflag:$0x0] =	sbarrier.arrive $0xFFFF  }
0x12b: {  	p0 =	sne.s32 s1, $0x0;
	_ =	strace $0x90000047  }
0x12c: {  	s0 =	sadd.s32 @!p0 $0x100000, s0;
	[bflag:$0x2] =	sbarrier.arrive $0xFFFF  }
0x12d: {  	[sflag:s0] =	ssyncadd.tile.s32 @!p0 $0x1;
	_ =	shalt  }
.Lfunc_end2:
_tile_overlayer_lowered:
.L_overlay_start_2:
0x12e: {  	(tag) =	ssettag $0x2  }
0x12f: {  	s0 =	rddreg [dreg:$0x0];
	s2 =	stileid.u32  }
0x130: {  	s1 =	rddreg [dreg:$0x1];
	p0 =	sne.s32 s2, $0x0  }
0x131: {  	s3 =	rddreg [dreg:$0x2];
	[bflag:$0x3] =	sbarrier.arrive $0xFFFF;
	s2 =	simm.s32 @!p0 $0x1C01  }
0x132: {  	[timem:s3], [sflag:s2] =	dma.local @!p0 [hbm:s0], s1  }
0x133: {  	s0 =	simm.s32 @!p0 $0x1  }
0x134: {  	_ =	swait.ge @!p0 [sflag:s0], s1  }
0x135: {  	s1 =	ssub.s32 @!p0 $0x0, s1;
	[sflag:s0] =	ssyncset.done @!p0 $0x0  }
0x136: {  	[sflag:s0] =	ssyncadd.s32 @!p0 s1  }
0x137: {  	[bflag:$0x3] =	sbarrier.arrive $0xFFFF  }
0x138: {  	_ =	shalt  }

</sc_bundles>
